<compile_context>
chip_gen: v7x
topology: tpu7x:2x2x1
jax: 0.10.2.dev20260603
libtpu: 0.0.44.dev20260713+nightly
codegen_flags: <defaults>
</compile_context>

<pallas_src>
import jax
import jax.numpy as jnp
from jax import lax
from jax.experimental import pallas as pl
from jax.experimental.pallas import tpu as pltpu
from jax.experimental.pallas import tpu_sc as plsc

B = 16384
D = 32
T = 50
L = 16

NC = 2
NS = 16
NW = NC * NS
BPW = B // NW
CH = 128
NCH = BPW // CH


def _sc_gather_body(u_hbm, i_hbm, us_hbm, is_hbm, ut, it, ult16, ilt16,
                    out_u, out_i, out_ul, out_il,
                    idx_u, idx_i, sidx_u, sidx_i,
                    urows, irows, ulrows, ilrows, sem):
    wid = lax.axis_index("s") * NC + lax.axis_index("c")
    base = wid * BPW
    pltpu.sync_copy(u_hbm.at[pl.ds(base, BPW)], idx_u)
    pltpu.sync_copy(i_hbm.at[pl.ds(base, BPW)], idx_i)
    pltpu.sync_copy(us_hbm.at[pl.ds(base, BPW)], sidx_u)
    pltpu.sync_copy(is_hbm.at[pl.ds(base, BPW)], sidx_i)
    cps = []
    for c in range(NCH):
        sl = pl.ds(c * CH, CH)
        cps.append(pltpu.async_copy(ut.at[idx_u.at[sl]], urows.at[sl], sem))
        cps.append(pltpu.async_copy(it.at[idx_i.at[sl]], irows.at[sl], sem))
        cps.append(pltpu.async_copy(ult16.at[sidx_u.at[sl]], ulrows.at[sl], sem))
        cps.append(pltpu.async_copy(ilt16.at[sidx_i.at[sl]], ilrows.at[sl], sem))
    for cp in cps:
        cp.wait()
    pltpu.sync_copy(urows, out_u.at[pl.ds(base, BPW)])
    pltpu.sync_copy(irows, out_i.at[pl.ds(base, BPW)])
    pltpu.sync_copy(ulrows, out_ul.at[pl.ds(base, BPW)])
    pltpu.sync_copy(ilrows, out_il.at[pl.ds(base, BPW)])


def _sc_gather(u, i, us, is_, user_table, item_table, ult16, ilt16):
    mesh = plsc.VectorSubcoreMesh(core_axis_name="c", subcore_axis_name="s",
                                  num_cores=NC, num_subcores=NS)
    f = pl.kernel(
        _sc_gather_body,
        out_type=[
            jax.ShapeDtypeStruct((B, D), jnp.float32),
            jax.ShapeDtypeStruct((B, D), jnp.float32),
            jax.ShapeDtypeStruct((B, L), jnp.float32),
            jax.ShapeDtypeStruct((B, L), jnp.float32),
        ],
        mesh=mesh,
        scratch_types=[
            pltpu.VMEM((BPW,), jnp.int32),
            pltpu.VMEM((BPW,), jnp.int32),
            pltpu.VMEM((BPW,), jnp.int32),
            pltpu.VMEM((BPW,), jnp.int32),
            pltpu.VMEM((BPW, D), jnp.float32),
            pltpu.VMEM((BPW, D), jnp.float32),
            pltpu.VMEM((BPW, L), jnp.float32),
            pltpu.VMEM((BPW, L), jnp.float32),
            pltpu.SemaphoreType.DMA,
        ],
        compiler_params=pltpu.CompilerParams(use_tc_tiling_on_sc=False),
    )
    return f(u, i, us, is_, user_table, item_table, ult16, ilt16)


def _dense_body(u_ref, i_ref, tf_ref, ul_ref, il_ref, uc_ref, ic_ref,
                tW_ref, tb_ref, tlw_ref,
                w1u_ref, w1i_ref, w1t_ref, b1_ref,
                w2_ref, b2_ref, w3_ref, sb_ref, out_ref):
    f32 = jnp.float32
    u = u_ref[...]
    it = i_ref[...]
    tf = tf_ref[...]
    t = jnp.dot(tf, tW_ref[...], preferred_element_type=f32) + tb_ref[...]
    fm2 = jnp.sum(u * it + (u + it) * t, axis=1)
    t_lin = jnp.sum(tf * tlw_ref[...], axis=1)
    lane = lax.broadcasted_iota(jnp.int32, (1, L), 1)
    u_lin = jnp.sum(jnp.where(uc_ref[...][:, None] == lane, ul_ref[...], 0.0),
                    axis=1)
    i_lin = jnp.sum(jnp.where(ic_ref[...][:, None] == lane, il_ref[...], 0.0),
                    axis=1)
    fm1 = u_lin + i_lin + t_lin
    h = jnp.dot(u, w1u_ref[...], preferred_element_type=f32)
    h += jnp.dot(it, w1i_ref[...], preferred_element_type=f32)
    h += jnp.dot(t, w1t_ref[...], preferred_element_type=f32)
    h = jnp.maximum(h + b1_ref[...], 0.0)
    h = jnp.maximum(jnp.dot(h, w2_ref[...], preferred_element_type=f32)
                    + b2_ref[...], 0.0)
    deep = jnp.sum(h * w3_ref[...], axis=1)
    z = fm1 + fm2 + deep + sb_ref[0, 0]
    out_ref[...] = jax.nn.sigmoid(z)


def _dense(u_emb, i_emb, tf, ul16, il16, ucol, icol,
           tW, tb, tlw, w1u, w1i, w1t, b1, w2, b2, w3, sb):
    bB = 2048
    grid = (B // bB,)
    row = lambda b: (b, 0)
    rep = lambda b: (0, 0)
    vec = lambda b: (b,)
    return pl.pallas_call(
        _dense_body,
        grid=grid,
        in_specs=[
            pl.BlockSpec((bB, D), row),
            pl.BlockSpec((bB, D), row),
            pl.BlockSpec((bB, T), row),
            pl.BlockSpec((bB, L), row),
            pl.BlockSpec((bB, L), row),
            pl.BlockSpec((bB,), vec),
            pl.BlockSpec((bB,), vec),
            pl.BlockSpec((T, D), rep),
            pl.BlockSpec((1, D), rep),
            pl.BlockSpec((1, T), rep),
            pl.BlockSpec((D, 64), rep),
            pl.BlockSpec((D, 64), rep),
            pl.BlockSpec((D, 64), rep),
            pl.BlockSpec((1, 64), rep),
            pl.BlockSpec((64, D), rep),
            pl.BlockSpec((1, D), rep),
            pl.BlockSpec((1, D), rep),
            pl.BlockSpec((1, 1), rep),
        ],
        out_specs=pl.BlockSpec((bB,), vec),
        out_shape=jax.ShapeDtypeStruct((B,), jnp.float32),
    )(u_emb, i_emb, tf, ul16, il16, ucol, icol, tW, tb, tlw,
      w1u, w1i, w1t, b1, w2, b2, w3, sb)


def kernel(u, i, text_features, user_table, item_table, text_W, text_b,
           user_lin_table, item_lin_table, textlin_W, textlin_b, fm_bias,
           W1, b1, W2, b2, W3, b3):
    u = u.astype(jnp.int32)
    i = i.astype(jnp.int32)
    ult16 = user_lin_table.reshape(-1, L)
    ilt16 = item_lin_table.reshape(-1, L)
    u_emb, i_emb, ul16, il16 = _sc_gather(u, i, u >> 4, i >> 4,
                                          user_table, item_table, ult16, ilt16)
    if False:
        lane = jnp.arange(L, dtype=jnp.int32)[None, :]
        u_lin = jnp.sum(jnp.where((u & (L - 1))[:, None] == lane, ul16, 0.0), axis=1)
        i_lin = jnp.sum(jnp.where((i & (L - 1))[:, None] == lane, il16, 0.0), axis=1)
        t = text_features @ text_W + text_b
        fm2 = jnp.sum(u_emb * i_emb + (u_emb + i_emb) * t, axis=1)
        fm1 = u_lin + i_lin + text_features @ textlin_W[:, 0]
        h = jax.nn.relu(u_emb @ W1[:D] + i_emb @ W1[D:2*D] + t @ W1[2*D:] + b1)
        h = jax.nn.relu(h @ W2 + b2)
        deep = h @ W3[:, 0]
        return jax.nn.sigmoid(fm1 + fm2 + deep + (fm_bias + textlin_b + b3)[0])
    sb = (fm_bias + textlin_b + b3).reshape(1, 1)
    return _dense(u_emb, i_emb, text_features, ul16, il16, u & (L - 1),
                  i & (L - 1),
                  text_W, text_b.reshape(1, D), textlin_W.reshape(1, T),
                  W1[:D], W1[D:2 * D], W1[2 * D:], b1.reshape(1, 64),
                  W2, b2.reshape(1, D), W3.reshape(1, D), sb)

# --- scband reference (transcript-rebuilt; emitter-appended) ---
"""Pipeline reference for scband-deep-fm-90254442758249 (READ-ONLY COPY).

The authoritative reference and input builder live on the scoring server;
editing this copy changes nothing except your own understanding.
"""

import jax, jax.numpy as jnp
import numpy as np

B = 16384
V_USERS = 1000000
V_ITEMS = 1000000
T = 50
D = 32

def setup_inputs(seed: int = 0):
    key = jax.random.key(seed)
    ks = jax.random.split(key, 16)
    u = jax.random.randint(ks[0], (B,), 0, V_USERS)
    i = jax.random.randint(ks[1], (B,), 0, V_ITEMS)
    text_features = jax.random.normal(ks[2], (B, T), dtype=jnp.float32)
    user_table = jax.random.normal(ks[3], (V_USERS, D), dtype=jnp.float32) * 0.02
    item_table = jax.random.normal(ks[4], (V_ITEMS, D), dtype=jnp.float32) * 0.02
    text_W = jax.random.normal(ks[5], (T, D), dtype=jnp.float32) * 0.1
    text_b = jnp.zeros((D,), dtype=jnp.float32)
    user_lin_table = jax.random.normal(ks[6], (V_USERS, 1), dtype=jnp.float32) * 0.02
    item_lin_table = jax.random.normal(ks[7], (V_ITEMS, 1), dtype=jnp.float32) * 0.02
    textlin_W = jax.random.normal(ks[8], (T, 1), dtype=jnp.float32) * 0.1
    textlin_b = jnp.zeros((1,), dtype=jnp.float32)
    fm_bias = jnp.zeros((1,), dtype=jnp.float32)
    W1 = jax.random.normal(ks[9], (3 * D, 64), dtype=jnp.float32) * 0.1
    b1 = jnp.zeros((64,), dtype=jnp.float32)
    W2 = jax.random.normal(ks[10], (64, 32), dtype=jnp.float32) * 0.1
    b2 = jnp.zeros((32,), dtype=jnp.float32)
    W3 = jax.random.normal(ks[11], (32, 1), dtype=jnp.float32) * 0.1
    b3 = jnp.zeros((1,), dtype=jnp.float32)
    return {'u': u, 'i': i, 'text_features': text_features, 'user_table': user_table, 'item_table': item_table, 'text_W': text_W, 'text_b': text_b, 'user_lin_table': user_lin_table, 'item_lin_table': item_lin_table, 'textlin_W': textlin_W, 'textlin_b': textlin_b, 'fm_bias': fm_bias, 'W1': W1, 'b1': b1, 'W2': W2, 'b2': b2, 'W3': W3, 'b3': b3}

def reference(u, i, text_features, user_table, item_table, text_W, text_b, user_lin_table, item_lin_table, textlin_W, textlin_b, fm_bias, W1, b1, W2, b2, W3, b3):
    u_emb = jnp.take(user_table, u, axis=0)
    i_emb = jnp.take(item_table, i, axis=0)
    t_emb = text_features @ text_W + text_b
    u_lin = jnp.take(user_lin_table, u, axis=0)[:, 0]
    i_lin = jnp.take(item_lin_table, i, axis=0)[:, 0]
    t_lin = (text_features @ textlin_W + textlin_b)[:, 0]
    fm_1st = u_lin + i_lin + t_lin + fm_bias[0]
    stacked = jnp.stack([u_emb, i_emb, t_emb], axis=1)
    sum_of_square = jnp.sum(stacked ** 2, axis=1)
    square_of_sum = jnp.sum(stacked, axis=1) ** 2
    fm_2nd = 0.5 * jnp.sum(square_of_sum - sum_of_square, axis=-1)
    deep_input = jnp.concatenate([u_emb, i_emb, t_emb], axis=-1)
    h = jax.nn.relu(deep_input @ W1 + b1)
    h = jax.nn.relu(h @ W2 + b2)
    deep_out = (h @ W3 + b3)[:, 0]
    out = fm_1st + fm_2nd + deep_out
    return jax.nn.sigmoid(out)

if __name__ == "__main__":
    import jax
    _d = setup_inputs()
    print(jax.jit(kernel)(*tuple(_d.values())))

</pallas_src>

<mosaic_0001>
#map = affine_map<(d0, d1) -> (0)>
#map1 = affine_map<(d0, d1) -> (0, 0)>
module attributes {stable_mosaic.version = 14 : i64} {
  func.func @_sc_gather_body(%arg0: i32, %arg1: i32, %arg2: memref<16384xi32, #tpu.memory_space<hbm>>, %arg3: memref<16384xi32, #tpu.memory_space<hbm>>, %arg4: memref<16384xi32, #tpu.memory_space<hbm>>, %arg5: memref<16384xi32, #tpu.memory_space<hbm>>, %arg6: memref<1000000x32xf32, #tpu.memory_space<hbm>>, %arg7: memref<1000000x32xf32, #tpu.memory_space<hbm>>, %arg8: memref<62500x16xf32, #tpu.memory_space<hbm>>, %arg9: memref<62500x16xf32, #tpu.memory_space<hbm>>, %arg10: memref<16384x32xf32, #tpu.memory_space<hbm>>, %arg11: memref<16384x32xf32, #tpu.memory_space<hbm>>, %arg12: memref<16384x16xf32, #tpu.memory_space<hbm>>, %arg13: memref<16384x16xf32, #tpu.memory_space<hbm>>, %arg14: memref<512xi32, #tpu.memory_space<vmem>>, %arg15: memref<512xi32, #tpu.memory_space<vmem>>, %arg16: memref<512xi32, #tpu.memory_space<vmem>>, %arg17: memref<512xi32, #tpu.memory_space<vmem>>, %arg18: memref<512x32xf32, #tpu.memory_space<vmem>>, %arg19: memref<512x32xf32, #tpu.memory_space<vmem>>, %arg20: memref<512x16xf32, #tpu.memory_space<vmem>>, %arg21: memref<512x16xf32, #tpu.memory_space<vmem>>, %arg22: memref<!tpu.dma_semaphore, #tpu.memory_space<semaphore_mem>>) attributes {dimension_semantics = [#tpu.dimension_semantics<core_parallel>, #tpu.dimension_semantics<subcore_parallel>], iteration_bounds = array<i64: 2, 16>, scalar_prefetch = 0 : i64, scratch_operands = 9 : i64, tpu.core_type = #tpu.core_type<sc_vector_subcore>, window_params = [{transform_indices = #map}, {transform_indices = #map}, {transform_indices = #map}, {transform_indices = #map}, {transform_indices = #map1}, {transform_indices = #map1}, {transform_indices = #map1}, {transform_indices = #map1}, {transform_indices = #map1}, {transform_indices = #map1}, {transform_indices = #map1}, {transform_indices = #map1}]} {
    %mul3A = arith.constant 2 : i32
    %mul3A_0 = arith.muli %arg1, %mul3A : i32
    %add3A = arith.addi %mul3A_0, %arg0 : i32
    %mul3A_1 = arith.constant 512 : i32
    %mul3A_2 = arith.muli %add3A, %mul3A_1 : i32
    "tpu.region"() ({
      %run_scoped3A = tpu.sem_alloc : memref<!tpu.dma_semaphore, #tpu.memory_space<semaphore_mem>>
      %dma_start3A_257 = tpu.memref_slice %arg2[%mul3A_2] : memref<16384xi32, #tpu.memory_space<hbm>> -> memref<512xi32, #tpu.memory_space<hbm>>
      %dma_start3A_258 = tpu.memref_slice %arg2[%mul3A_2] : memref<16384xi32, #tpu.memory_space<hbm>> -> memref<512xi32, #tpu.memory_space<hbm>>
      tpu.enqueue_dma source(%dma_start3A_258 : memref<512xi32, #tpu.memory_space<hbm>>) target(%arg14 : memref<512xi32, #tpu.memory_space<vmem>>) target_semaphore(%run_scoped3A : memref<!tpu.dma_semaphore, #tpu.memory_space<semaphore_mem>>)
      %dma_wait3A_259 = tpu.memref_slice %arg2[%mul3A_2] : memref<16384xi32, #tpu.memory_space<hbm>> -> memref<512xi32, #tpu.memory_space<hbm>>
      %dma_wait3A_260 = tpu.memref_slice %arg2[%mul3A_2] : memref<16384xi32, #tpu.memory_space<hbm>> -> memref<512xi32, #tpu.memory_space<hbm>>
      tpu.wait_dma2 semaphore(%run_scoped3A : memref<!tpu.dma_semaphore, #tpu.memory_space<semaphore_mem>>) src(%dma_wait3A_260 : memref<512xi32, #tpu.memory_space<hbm>>) dst(%arg14 : memref<512xi32, #tpu.memory_space<vmem>>)
      tpu.yield
    }) : () -> ()
    "tpu.region"() ({
      %run_scoped3A = tpu.sem_alloc : memref<!tpu.dma_semaphore, #tpu.memory_space<semaphore_mem>>
      %dma_start3A_257 = tpu.memref_slice %arg3[%mul3A_2] : memref<16384xi32, #tpu.memory_space<hbm>> -> memref<512xi32, #tpu.memory_space<hbm>>
      %dma_start3A_258 = tpu.memref_slice %arg3[%mul3A_2] : memref<16384xi32, #tpu.memory_space<hbm>> -> memref<512xi32, #tpu.memory_space<hbm>>
      tpu.enqueue_dma source(%dma_start3A_258 : memref<512xi32, #tpu.memory_space<hbm>>) target(%arg15 : memref<512xi32, #tpu.memory_space<vmem>>) target_semaphore(%run_scoped3A : memref<!tpu.dma_semaphore, #tpu.memory_space<semaphore_mem>>)
      %dma_wait3A_259 = tpu.memref_slice %arg3[%mul3A_2] : memref<16384xi32, #tpu.memory_space<hbm>> -> memref<512xi32, #tpu.memory_space<hbm>>
      %dma_wait3A_260 = tpu.memref_slice %arg3[%mul3A_2] : memref<16384xi32, #tpu.memory_space<hbm>> -> memref<512xi32, #tpu.memory_space<hbm>>
      tpu.wait_dma2 semaphore(%run_scoped3A : memref<!tpu.dma_semaphore, #tpu.memory_space<semaphore_mem>>) src(%dma_wait3A_260 : memref<512xi32, #tpu.memory_space<hbm>>) dst(%arg15 : memref<512xi32, #tpu.memory_space<vmem>>)
      tpu.yield
    }) : () -> ()
    "tpu.region"() ({
      %run_scoped3A = tpu.sem_alloc : memref<!tpu.dma_semaphore, #tpu.memory_space<semaphore_mem>>
      %dma_start3A_257 = tpu.memref_slice %arg4[%mul3A_2] : memref<16384xi32, #tpu.memory_space<hbm>> -> memref<512xi32, #tpu.memory_space<hbm>>
      %dma_start3A_258 = tpu.memref_slice %arg4[%mul3A_2] : memref<16384xi32, #tpu.memory_space<hbm>> -> memref<512xi32, #tpu.memory_space<hbm>>
      tpu.enqueue_dma source(%dma_start3A_258 : memref<512xi32, #tpu.memory_space<hbm>>) target(%arg16 : memref<512xi32, #tpu.memory_space<vmem>>) target_semaphore(%run_scoped3A : memref<!tpu.dma_semaphore, #tpu.memory_space<semaphore_mem>>)
      %dma_wait3A_259 = tpu.memref_slice %arg4[%mul3A_2] : memref<16384xi32, #tpu.memory_space<hbm>> -> memref<512xi32, #tpu.memory_space<hbm>>
      %dma_wait3A_260 = tpu.memref_slice %arg4[%mul3A_2] : memref<16384xi32, #tpu.memory_space<hbm>> -> memref<512xi32, #tpu.memory_space<hbm>>
      tpu.wait_dma2 semaphore(%run_scoped3A : memref<!tpu.dma_semaphore, #tpu.memory_space<semaphore_mem>>) src(%dma_wait3A_260 : memref<512xi32, #tpu.memory_space<hbm>>) dst(%arg16 : memref<512xi32, #tpu.memory_space<vmem>>)
      tpu.yield
    }) : () -> ()
    "tpu.region"() ({
      %run_scoped3A = tpu.sem_alloc : memref<!tpu.dma_semaphore, #tpu.memory_space<semaphore_mem>>
      %dma_start3A_257 = tpu.memref_slice %arg5[%mul3A_2] : memref<16384xi32, #tpu.memory_space<hbm>> -> memref<512xi32, #tpu.memory_space<hbm>>
      %dma_start3A_258 = tpu.memref_slice %arg5[%mul3A_2] : memref<16384xi32, #tpu.memory_space<hbm>> -> memref<512xi32, #tpu.memory_space<hbm>>
      tpu.enqueue_dma source(%dma_start3A_258 : memref<512xi32, #tpu.memory_space<hbm>>) target(%arg17 : memref<512xi32, #tpu.memory_space<vmem>>) target_semaphore(%run_scoped3A : memref<!tpu.dma_semaphore, #tpu.memory_space<semaphore_mem>>)
      %dma_wait3A_259 = tpu.memref_slice %arg5[%mul3A_2] : memref<16384xi32, #tpu.memory_space<hbm>> -> memref<512xi32, #tpu.memory_space<hbm>>
      %dma_wait3A_260 = tpu.memref_slice %arg5[%mul3A_2] : memref<16384xi32, #tpu.memory_space<hbm>> -> memref<512xi32, #tpu.memory_space<hbm>>
      tpu.wait_dma2 semaphore(%run_scoped3A : memref<!tpu.dma_semaphore, #tpu.memory_space<semaphore_mem>>) src(%dma_wait3A_260 : memref<512xi32, #tpu.memory_space<hbm>>) dst(%arg17 : memref<512xi32, #tpu.memory_space<vmem>>)
      tpu.yield
    }) : () -> ()
    %dma_start3A = arith.constant 0 : i32
    %dma_start3A_3 = arith.constant 0 : i32
    %dma_start3A_4 = tpu.memref_slice %arg18[%dma_start3A, %dma_start3A_3] : memref<512x32xf32, #tpu.memory_space<vmem>> -> memref<128x32xf32, #tpu.memory_space<vmem>>
    %dma_start3A_5 = arith.constant 0 : i32
    %dma_start3A_6 = tpu.memref_slice %arg14[%dma_start3A_5] : memref<512xi32, #tpu.memory_space<vmem>> -> memref<128xi32, #tpu.memory_space<vmem>>
    %dma_start3A_7 = arith.constant 0 : i32
    %dma_start3A_8 = arith.constant 0 : i32
    %dma_start3A_9 = tpu.memref_slice %arg6[%dma_start3A_7, %dma_start3A_8] : memref<1000000x32xf32, #tpu.memory_space<hbm>> -> memref<1000000x32xf32, #tpu.memory_space<hbm>>
    tpu.enqueue_indirect_dma source(%dma_start3A_9 : memref<1000000x32xf32, #tpu.memory_space<hbm>>) target(%dma_start3A_4 : memref<128x32xf32, #tpu.memory_space<vmem>>) offsets(%dma_start3A_6 : memref<128xi32, #tpu.memory_space<vmem>>) semaphore(%arg22 : memref<!tpu.dma_semaphore, #tpu.memory_space<semaphore_mem>>)
    %dma_start3A_10 = arith.constant 0 : i32
    %dma_start3A_11 = arith.constant 0 : i32
    %dma_start3A_12 = tpu.memref_slice %arg19[%dma_start3A_10, %dma_start3A_11] : memref<512x32xf32, #tpu.memory_space<vmem>> -> memref<128x32xf32, #tpu.memory_space<vmem>>
    %dma_start3A_13 = arith.constant 0 : i32
    %dma_start3A_14 = tpu.memref_slice %arg15[%dma_start3A_13] : memref<512xi32, #tpu.memory_space<vmem>> -> memref<128xi32, #tpu.memory_space<vmem>>
    %dma_start3A_15 = arith.constant 0 : i32
    %dma_start3A_16 = arith.constant 0 : i32
    %dma_start3A_17 = tpu.memref_slice %arg7[%dma_start3A_15, %dma_start3A_16] : memref<1000000x32xf32, #tpu.memory_space<hbm>> -> memref<1000000x32xf32, #tpu.memory_space<hbm>>
    tpu.enqueue_indirect_dma source(%dma_start3A_17 : memref<1000000x32xf32, #tpu.memory_space<hbm>>) target(%dma_start3A_12 : memref<128x32xf32, #tpu.memory_space<vmem>>) offsets(%dma_start3A_14 : memref<128xi32, #tpu.memory_space<vmem>>) semaphore(%arg22 : memref<!tpu.dma_semaphore, #tpu.memory_space<semaphore_mem>>)
    %dma_start3A_18 = arith.constant 0 : i32
    %dma_start3A_19 = arith.constant 0 : i32
    %dma_start3A_20 = tpu.memref_slice %arg20[%dma_start3A_18, %dma_start3A_19] : memref<512x16xf32, #tpu.memory_space<vmem>> -> memref<128x16xf32, #tpu.memory_space<vmem>>
    %dma_start3A_21 = arith.constant 0 : i32
    %dma_start3A_22 = tpu.memref_slice %arg16[%dma_start3A_21] : memref<512xi32, #tpu.memory_space<vmem>> -> memref<128xi32, #tpu.memory_space<vmem>>
    %dma_start3A_23 = arith.constant 0 : i32
    %dma_start3A_24 = arith.constant 0 : i32
    %dma_start3A_25 = tpu.memref_slice %arg8[%dma_start3A_23, %dma_start3A_24] : memref<62500x16xf32, #tpu.memory_space<hbm>> -> memref<62500x16xf32, #tpu.memory_space<hbm>>
    tpu.enqueue_indirect_dma source(%dma_start3A_25 : memref<62500x16xf32, #tpu.memory_space<hbm>>) target(%dma_start3A_20 : memref<128x16xf32, #tpu.memory_space<vmem>>) offsets(%dma_start3A_22 : memref<128xi32, #tpu.memory_space<vmem>>) semaphore(%arg22 : memref<!tpu.dma_semaphore, #tpu.memory_space<semaphore_mem>>)
    %dma_start3A_26 = arith.constant 0 : i32
    %dma_start3A_27 = arith.constant 0 : i32
    %dma_start3A_28 = tpu.memref_slice %arg21[%dma_start3A_26, %dma_start3A_27] : memref<512x16xf32, #tpu.memory_space<vmem>> -> memref<128x16xf32, #tpu.memory_space<vmem>>
    %dma_start3A_29 = arith.constant 0 : i32
    %dma_start3A_30 = tpu.memref_slice %arg17[%dma_start3A_29] : memref<512xi32, #tpu.memory_space<vmem>> -> memref<128xi32, #tpu.memory_space<vmem>>
    %dma_start3A_31 = arith.constant 0 : i32
    %dma_start3A_32 = arith.constant 0 : i32
    %dma_start3A_33 = tpu.memref_slice %arg9[%dma_start3A_31, %dma_start3A_32] : memref<62500x16xf32, #tpu.memory_space<hbm>> -> memref<62500x16xf32, #tpu.memory_space<hbm>>
    tpu.enqueue_indirect_dma source(%dma_start3A_33 : memref<62500x16xf32, #tpu.memory_space<hbm>>) target(%dma_start3A_28 : memref<128x16xf32, #tpu.memory_space<vmem>>) offsets(%dma_start3A_30 : memref<128xi32, #tpu.memory_space<vmem>>) semaphore(%arg22 : memref<!tpu.dma_semaphore, #tpu.memory_space<semaphore_mem>>)
    %dma_start3A_34 = arith.constant 128 : i32
    %dma_start3A_35 = arith.constant 0 : i32
    %dma_start3A_36 = tpu.memref_slice %arg18[%dma_start3A_34, %dma_start3A_35] : memref<512x32xf32, #tpu.memory_space<vmem>> -> memref<128x32xf32, #tpu.memory_space<vmem>>
    %dma_start3A_37 = arith.constant 128 : i32
    %dma_start3A_38 = tpu.memref_slice %arg14[%dma_start3A_37] : memref<512xi32, #tpu.memory_space<vmem>> -> memref<128xi32, #tpu.memory_space<vmem>>
    %dma_start3A_39 = arith.constant 0 : i32
    %dma_start3A_40 = arith.constant 0 : i32
    %dma_start3A_41 = tpu.memref_slice %arg6[%dma_start3A_39, %dma_start3A_40] : memref<1000000x32xf32, #tpu.memory_space<hbm>> -> memref<1000000x32xf32, #tpu.memory_space<hbm>>
    tpu.enqueue_indirect_dma source(%dma_start3A_41 : memref<1000000x32xf32, #tpu.memory_space<hbm>>) target(%dma_start3A_36 : memref<128x32xf32, #tpu.memory_space<vmem>>) offsets(%dma_start3A_38 : memref<128xi32, #tpu.memory_space<vmem>>) semaphore(%arg22 : memref<!tpu.dma_semaphore, #tpu.memory_space<semaphore_mem>>)
    %dma_start3A_42 = arith.constant 128 : i32
    %dma_start3A_43 = arith.constant 0 : i32
    %dma_start3A_44 = tpu.memref_slice %arg19[%dma_start3A_42, %dma_start3A_43] : memref<512x32xf32, #tpu.memory_space<vmem>> -> memref<128x32xf32, #tpu.memory_space<vmem>>
    %dma_start3A_45 = arith.constant 128 : i32
    %dma_start3A_46 = tpu.memref_slice %arg15[%dma_start3A_45] : memref<512xi32, #tpu.memory_space<vmem>> -> memref<128xi32, #tpu.memory_space<vmem>>
    %dma_start3A_47 = arith.constant 0 : i32
    %dma_start3A_48 = arith.constant 0 : i32
    %dma_start3A_49 = tpu.memref_slice %arg7[%dma_start3A_47, %dma_start3A_48] : memref<1000000x32xf32, #tpu.memory_space<hbm>> -> memref<1000000x32xf32, #tpu.memory_space<hbm>>
    tpu.enqueue_indirect_dma source(%dma_start3A_49 : memref<1000000x32xf32, #tpu.memory_space<hbm>>) target(%dma_start3A_44 : memref<128x32xf32, #tpu.memory_space<vmem>>) offsets(%dma_start3A_46 : memref<128xi32, #tpu.memory_space<vmem>>) semaphore(%arg22 : memref<!tpu.dma_semaphore, #tpu.memory_space<semaphore_mem>>)
    %dma_start3A_50 = arith.constant 128 : i32
    %dma_start3A_51 = arith.constant 0 : i32
    %dma_start3A_52 = tpu.memref_slice %arg20[%dma_start3A_50, %dma_start3A_51] : memref<512x16xf32, #tpu.memory_space<vmem>> -> memref<128x16xf32, #tpu.memory_space<vmem>>
    %dma_start3A_53 = arith.constant 128 : i32
    %dma_start3A_54 = tpu.memref_slice %arg16[%dma_start3A_53] : memref<512xi32, #tpu.memory_space<vmem>> -> memref<128xi32, #tpu.memory_space<vmem>>
    %dma_start3A_55 = arith.constant 0 : i32
    %dma_start3A_56 = arith.constant 0 : i32
    %dma_start3A_57 = tpu.memref_slice %arg8[%dma_start3A_55, %dma_start3A_56] : memref<62500x16xf32, #tpu.memory_space<hbm>> -> memref<62500x16xf32, #tpu.memory_space<hbm>>
    tpu.enqueue_indirect_dma source(%dma_start3A_57 : memref<62500x16xf32, #tpu.memory_space<hbm>>) target(%dma_start3A_52 : memref<128x16xf32, #tpu.memory_space<vmem>>) offsets(%dma_start3A_54 : memref<128xi32, #tpu.memory_space<vmem>>) semaphore(%arg22 : memref<!tpu.dma_semaphore, #tpu.memory_space<semaphore_mem>>)
    %dma_start3A_58 = arith.constant 128 : i32
    %dma_start3A_59 = arith.constant 0 : i32
    %dma_start3A_60 = tpu.memref_slice %arg21[%dma_start3A_58, %dma_start3A_59] : memref<512x16xf32, #tpu.memory_space<vmem>> -> memref<128x16xf32, #tpu.memory_space<vmem>>
    %dma_start3A_61 = arith.constant 128 : i32
    %dma_start3A_62 = tpu.memref_slice %arg17[%dma_start3A_61] : memref<512xi32, #tpu.memory_space<vmem>> -> memref<128xi32, #tpu.memory_space<vmem>>
    %dma_start3A_63 = arith.constant 0 : i32
    %dma_start3A_64 = arith.constant 0 : i32
    %dma_start3A_65 = tpu.memref_slice %arg9[%dma_start3A_63, %dma_start3A_64] : memref<62500x16xf32, #tpu.memory_space<hbm>> -> memref<62500x16xf32, #tpu.memory_space<hbm>>
    tpu.enqueue_indirect_dma source(%dma_start3A_65 : memref<62500x16xf32, #tpu.memory_space<hbm>>) target(%dma_start3A_60 : memref<128x16xf32, #tpu.memory_space<vmem>>) offsets(%dma_start3A_62 : memref<128xi32, #tpu.memory_space<vmem>>) semaphore(%arg22 : memref<!tpu.dma_semaphore, #tpu.memory_space<semaphore_mem>>)
    %dma_start3A_66 = arith.constant 256 : i32
    %dma_start3A_67 = arith.constant 0 : i32
    %dma_start3A_68 = tpu.memref_slice %arg18[%dma_start3A_66, %dma_start3A_67] : memref<512x32xf32, #tpu.memory_space<vmem>> -> memref<128x32xf32, #tpu.memory_space<vmem>>
    %dma_start3A_69 = arith.constant 256 : i32
    %dma_start3A_70 = tpu.memref_slice %arg14[%dma_start3A_69] : memref<512xi32, #tpu.memory_space<vmem>> -> memref<128xi32, #tpu.memory_space<vmem>>
    %dma_start3A_71 = arith.constant 0 : i32
    %dma_start3A_72 = arith.constant 0 : i32
    %dma_start3A_73 = tpu.memref_slice %arg6[%dma_start3A_71, %dma_start3A_72] : memref<1000000x32xf32, #tpu.memory_space<hbm>> -> memref<1000000x32xf32, #tpu.memory_space<hbm>>
    tpu.enqueue_indirect_dma source(%dma_start3A_73 : memref<1000000x32xf32, #tpu.memory_space<hbm>>) target(%dma_start3A_68 : memref<128x32xf32, #tpu.memory_space<vmem>>) offsets(%dma_start3A_70 : memref<128xi32, #tpu.memory_space<vmem>>) semaphore(%arg22 : memref<!tpu.dma_semaphore, #tpu.memory_space<semaphore_mem>>)
    %dma_start3A_74 = arith.constant 256 : i32
    %dma_start3A_75 = arith.constant 0 : i32
    %dma_start3A_76 = tpu.memref_slice %arg19[%dma_start3A_74, %dma_start3A_75] : memref<512x32xf32, #tpu.memory_space<vmem>> -> memref<128x32xf32, #tpu.memory_space<vmem>>
    %dma_start3A_77 = arith.constant 256 : i32
    %dma_start3A_78 = tpu.memref_slice %arg15[%dma_start3A_77] : memref<512xi32, #tpu.memory_space<vmem>> -> memref<128xi32, #tpu.memory_space<vmem>>
    %dma_start3A_79 = arith.constant 0 : i32
    %dma_start3A_80 = arith.constant 0 : i32
    %dma_start3A_81 = tpu.memref_slice %arg7[%dma_start3A_79, %dma_start3A_80] : memref<1000000x32xf32, #tpu.memory_space<hbm>> -> memref<1000000x32xf32, #tpu.memory_space<hbm>>
    tpu.enqueue_indirect_dma source(%dma_start3A_81 : memref<1000000x32xf32, #tpu.memory_space<hbm>>) target(%dma_start3A_76 : memref<128x32xf32, #tpu.memory_space<vmem>>) offsets(%dma_start3A_78 : memref<128xi32, #tpu.memory_space<vmem>>) semaphore(%arg22 : memref<!tpu.dma_semaphore, #tpu.memory_space<semaphore_mem>>)
    %dma_start3A_82 = arith.constant 256 : i32
    %dma_start3A_83 = arith.constant 0 : i32
    %dma_start3A_84 = tpu.memref_slice %arg20[%dma_start3A_82, %dma_start3A_83] : memref<512x16xf32, #tpu.memory_space<vmem>> -> memref<128x16xf32, #tpu.memory_space<vmem>>
    %dma_start3A_85 = arith.constant 256 : i32
    %dma_start3A_86 = tpu.memref_slice %arg16[%dma_start3A_85] : memref<512xi32, #tpu.memory_space<vmem>> -> memref<128xi32, #tpu.memory_space<vmem>>
    %dma_start3A_87 = arith.constant 0 : i32
    %dma_start3A_88 = arith.constant 0 : i32
    %dma_start3A_89 = tpu.memref_slice %arg8[%dma_start3A_87, %dma_start3A_88] : memref<62500x16xf32, #tpu.memory_space<hbm>> -> memref<62500x16xf32, #tpu.memory_space<hbm>>
    tpu.enqueue_indirect_dma source(%dma_start3A_89 : memref<62500x16xf32, #tpu.memory_space<hbm>>) target(%dma_start3A_84 : memref<128x16xf32, #tpu.memory_space<vmem>>) offsets(%dma_start3A_86 : memref<128xi32, #tpu.memory_space<vmem>>) semaphore(%arg22 : memref<!tpu.dma_semaphore, #tpu.memory_space<semaphore_mem>>)
    %dma_start3A_90 = arith.constant 256 : i32
    %dma_start3A_91 = arith.constant 0 : i32
    %dma_start3A_92 = tpu.memref_slice %arg21[%dma_start3A_90, %dma_start3A_91] : memref<512x16xf32, #tpu.memory_space<vmem>> -> memref<128x16xf32, #tpu.memory_space<vmem>>
    %dma_start3A_93 = arith.constant 256 : i32
    %dma_start3A_94 = tpu.memref_slice %arg17[%dma_start3A_93] : memref<512xi32, #tpu.memory_space<vmem>> -> memref<128xi32, #tpu.memory_space<vmem>>
    %dma_start3A_95 = arith.constant 0 : i32
    %dma_start3A_96 = arith.constant 0 : i32
    %dma_start3A_97 = tpu.memref_slice %arg9[%dma_start3A_95, %dma_start3A_96] : memref<62500x16xf32, #tpu.memory_space<hbm>> -> memref<62500x16xf32, #tpu.memory_space<hbm>>
    tpu.enqueue_indirect_dma source(%dma_start3A_97 : memref<62500x16xf32, #tpu.memory_space<hbm>>) target(%dma_start3A_92 : memref<128x16xf32, #tpu.memory_space<vmem>>) offsets(%dma_start3A_94 : memref<128xi32, #tpu.memory_space<vmem>>) semaphore(%arg22 : memref<!tpu.dma_semaphore, #tpu.memory_space<semaphore_mem>>)
    %dma_start3A_98 = arith.constant 384 : i32
    %dma_start3A_99 = arith.constant 0 : i32
    %dma_start3A_100 = tpu.memref_slice %arg18[%dma_start3A_98, %dma_start3A_99] : memref<512x32xf32, #tpu.memory_space<vmem>> -> memref<128x32xf32, #tpu.memory_space<vmem>>
    %dma_start3A_101 = arith.constant 384 : i32
    %dma_start3A_102 = tpu.memref_slice %arg14[%dma_start3A_101] : memref<512xi32, #tpu.memory_space<vmem>> -> memref<128xi32, #tpu.memory_space<vmem>>
    %dma_start3A_103 = arith.constant 0 : i32
    %dma_start3A_104 = arith.constant 0 : i32
    %dma_start3A_105 = tpu.memref_slice %arg6[%dma_start3A_103, %dma_start3A_104] : memref<1000000x32xf32, #tpu.memory_space<hbm>> -> memref<1000000x32xf32, #tpu.memory_space<hbm>>
    tpu.enqueue_indirect_dma source(%dma_start3A_105 : memref<1000000x32xf32, #tpu.memory_space<hbm>>) target(%dma_start3A_100 : memref<128x32xf32, #tpu.memory_space<vmem>>) offsets(%dma_start3A_102 : memref<128xi32, #tpu.memory_space<vmem>>) semaphore(%arg22 : memref<!tpu.dma_semaphore, #tpu.memory_space<semaphore_mem>>)
    %dma_start3A_106 = arith.constant 384 : i32
    %dma_start3A_107 = arith.constant 0 : i32
    %dma_start3A_108 = tpu.memref_slice %arg19[%dma_start3A_106, %dma_start3A_107] : memref<512x32xf32, #tpu.memory_space<vmem>> -> memref<128x32xf32, #tpu.memory_space<vmem>>
    %dma_start3A_109 = arith.constant 384 : i32
    %dma_start3A_110 = tpu.memref_slice %arg15[%dma_start3A_109] : memref<512xi32, #tpu.memory_space<vmem>> -> memref<128xi32, #tpu.memory_space<vmem>>
    %dma_start3A_111 = arith.constant 0 : i32
    %dma_start3A_112 = arith.constant 0 : i32
    %dma_start3A_113 = tpu.memref_slice %arg7[%dma_start3A_111, %dma_start3A_112] : memref<1000000x32xf32, #tpu.memory_space<hbm>> -> memref<1000000x32xf32, #tpu.memory_space<hbm>>
    tpu.enqueue_indirect_dma source(%dma_start3A_113 : memref<1000000x32xf32, #tpu.memory_space<hbm>>) target(%dma_start3A_108 : memref<128x32xf32, #tpu.memory_space<vmem>>) offsets(%dma_start3A_110 : memref<128xi32, #tpu.memory_space<vmem>>) semaphore(%arg22 : memref<!tpu.dma_semaphore, #tpu.memory_space<semaphore_mem>>)
    %dma_start3A_114 = arith.constant 384 : i32
    %dma_start3A_115 = arith.constant 0 : i32
    %dma_start3A_116 = tpu.memref_slice %arg20[%dma_start3A_114, %dma_start3A_115] : memref<512x16xf32, #tpu.memory_space<vmem>> -> memref<128x16xf32, #tpu.memory_space<vmem>>
    %dma_start3A_117 = arith.constant 384 : i32
    %dma_start3A_118 = tpu.memref_slice %arg16[%dma_start3A_117] : memref<512xi32, #tpu.memory_space<vmem>> -> memref<128xi32, #tpu.memory_space<vmem>>
    %dma_start3A_119 = arith.constant 0 : i32
    %dma_start3A_120 = arith.constant 0 : i32
    %dma_start3A_121 = tpu.memref_slice %arg8[%dma_start3A_119, %dma_start3A_120] : memref<62500x16xf32, #tpu.memory_space<hbm>> -> memref<62500x16xf32, #tpu.memory_space<hbm>>
    tpu.enqueue_indirect_dma source(%dma_start3A_121 : memref<62500x16xf32, #tpu.memory_space<hbm>>) target(%dma_start3A_116 : memref<128x16xf32, #tpu.memory_space<vmem>>) offsets(%dma_start3A_118 : memref<128xi32, #tpu.memory_space<vmem>>) semaphore(%arg22 : memref<!tpu.dma_semaphore, #tpu.memory_space<semaphore_mem>>)
    %dma_start3A_122 = arith.constant 384 : i32
    %dma_start3A_123 = arith.constant 0 : i32
    %dma_start3A_124 = tpu.memref_slice %arg21[%dma_start3A_122, %dma_start3A_123] : memref<512x16xf32, #tpu.memory_space<vmem>> -> memref<128x16xf32, #tpu.memory_space<vmem>>
    %dma_start3A_125 = arith.constant 384 : i32
    %dma_start3A_126 = tpu.memref_slice %arg17[%dma_start3A_125] : memref<512xi32, #tpu.memory_space<vmem>> -> memref<128xi32, #tpu.memory_space<vmem>>
    %dma_start3A_127 = arith.constant 0 : i32
    %dma_start3A_128 = arith.constant 0 : i32
    %dma_start3A_129 = tpu.memref_slice %arg9[%dma_start3A_127, %dma_start3A_128] : memref<62500x16xf32, #tpu.memory_space<hbm>> -> memref<62500x16xf32, #tpu.memory_space<hbm>>
    tpu.enqueue_indirect_dma source(%dma_start3A_129 : memref<62500x16xf32, #tpu.memory_space<hbm>>) target(%dma_start3A_124 : memref<128x16xf32, #tpu.memory_space<vmem>>) offsets(%dma_start3A_126 : memref<128xi32, #tpu.memory_space<vmem>>) semaphore(%arg22 : memref<!tpu.dma_semaphore, #tpu.memory_space<semaphore_mem>>)
    %dma_wait3A = arith.constant 0 : i32
    %dma_wait3A_130 = arith.constant 0 : i32
    %dma_wait3A_131 = tpu.memref_slice %arg18[%dma_wait3A, %dma_wait3A_130] : memref<512x32xf32, #tpu.memory_space<vmem>> -> memref<128x32xf32, #tpu.memory_space<vmem>>
    %dma_wait3A_132 = arith.constant 0 : i32
    %dma_wait3A_133 = tpu.memref_slice %arg14[%dma_wait3A_132] : memref<512xi32, #tpu.memory_space<vmem>> -> memref<128xi32, #tpu.memory_space<vmem>>
    %dma_wait3A_134 = arith.constant 0 : i32
    %dma_wait3A_135 = arith.constant 0 : i32
    %dma_wait3A_136 = tpu.memref_slice %arg6[%dma_wait3A_134, %dma_wait3A_135] : memref<1000000x32xf32, #tpu.memory_space<hbm>> -> memref<1000000x32xf32, #tpu.memory_space<hbm>>
    tpu.wait_indirect_dma semaphore(%arg22 : memref<!tpu.dma_semaphore, #tpu.memory_space<semaphore_mem>>) src(%dma_wait3A_136 : memref<1000000x32xf32, #tpu.memory_space<hbm>>) dst(%dma_wait3A_131 : memref<128x32xf32, #tpu.memory_space<vmem>>)
    %dma_wait3A_137 = arith.constant 0 : i32
    %dma_wait3A_138 = arith.constant 0 : i32
    %dma_wait3A_139 = tpu.memref_slice %arg19[%dma_wait3A_137, %dma_wait3A_138] : memref<512x32xf32, #tpu.memory_space<vmem>> -> memref<128x32xf32, #tpu.memory_space<vmem>>
    %dma_wait3A_140 = arith.constant 0 : i32
    %dma_wait3A_141 = tpu.memref_slice %arg15[%dma_wait3A_140] : memref<512xi32, #tpu.memory_space<vmem>> -> memref<128xi32, #tpu.memory_space<vmem>>
    %dma_wait3A_142 = arith.constant 0 : i32
    %dma_wait3A_143 = arith.constant 0 : i32
    %dma_wait3A_144 = tpu.memref_slice %arg7[%dma_wait3A_142, %dma_wait3A_143] : memref<1000000x32xf32, #tpu.memory_space<hbm>> -> memref<1000000x32xf32, #tpu.memory_space<hbm>>
    tpu.wait_indirect_dma semaphore(%arg22 : memref<!tpu.dma_semaphore, #tpu.memory_space<semaphore_mem>>) src(%dma_wait3A_144 : memref<1000000x32xf32, #tpu.memory_space<hbm>>) dst(%dma_wait3A_139 : memref<128x32xf32, #tpu.memory_space<vmem>>)
    %dma_wait3A_145 = arith.constant 0 : i32
    %dma_wait3A_146 = arith.constant 0 : i32
    %dma_wait3A_147 = tpu.memref_slice %arg20[%dma_wait3A_145, %dma_wait3A_146] : memref<512x16xf32, #tpu.memory_space<vmem>> -> memref<128x16xf32, #tpu.memory_space<vmem>>
    %dma_wait3A_148 = arith.constant 0 : i32
    %dma_wait3A_149 = tpu.memref_slice %arg16[%dma_wait3A_148] : memref<512xi32, #tpu.memory_space<vmem>> -> memref<128xi32, #tpu.memory_space<vmem>>
    %dma_wait3A_150 = arith.constant 0 : i32
    %dma_wait3A_151 = arith.constant 0 : i32
    %dma_wait3A_152 = tpu.memref_slice %arg8[%dma_wait3A_150, %dma_wait3A_151] : memref<62500x16xf32, #tpu.memory_space<hbm>> -> memref<62500x16xf32, #tpu.memory_space<hbm>>
    tpu.wait_indirect_dma semaphore(%arg22 : memref<!tpu.dma_semaphore, #tpu.memory_space<semaphore_mem>>) src(%dma_wait3A_152 : memref<62500x16xf32, #tpu.memory_space<hbm>>) dst(%dma_wait3A_147 : memref<128x16xf32, #tpu.memory_space<vmem>>)
    %dma_wait3A_153 = arith.constant 0 : i32
    %dma_wait3A_154 = arith.constant 0 : i32
    %dma_wait3A_155 = tpu.memref_slice %arg21[%dma_wait3A_153, %dma_wait3A_154] : memref<512x16xf32, #tpu.memory_space<vmem>> -> memref<128x16xf32, #tpu.memory_space<vmem>>
    %dma_wait3A_156 = arith.constant 0 : i32
    %dma_wait3A_157 = tpu.memref_slice %arg17[%dma_wait3A_156] : memref<512xi32, #tpu.memory_space<vmem>> -> memref<128xi32, #tpu.memory_space<vmem>>
    %dma_wait3A_158 = arith.constant 0 : i32
    %dma_wait3A_159 = arith.constant 0 : i32
    %dma_wait3A_160 = tpu.memref_slice %arg9[%dma_wait3A_158, %dma_wait3A_159] : memref<62500x16xf32, #tpu.memory_space<hbm>> -> memref<62500x16xf32, #tpu.memory_space<hbm>>
    tpu.wait_indirect_dma semaphore(%arg22 : memref<!tpu.dma_semaphore, #tpu.memory_space<semaphore_mem>>) src(%dma_wait3A_160 : memref<62500x16xf32, #tpu.memory_space<hbm>>) dst(%dma_wait3A_155 : memref<128x16xf32, #tpu.memory_space<vmem>>)
    %dma_wait3A_161 = arith.constant 128 : i32
    %dma_wait3A_162 = arith.constant 0 : i32
    %dma_wait3A_163 = tpu.memref_slice %arg18[%dma_wait3A_161, %dma_wait3A_162] : memref<512x32xf32, #tpu.memory_space<vmem>> -> memref<128x32xf32, #tpu.memory_space<vmem>>
    %dma_wait3A_164 = arith.constant 128 : i32
    %dma_wait3A_165 = tpu.memref_slice %arg14[%dma_wait3A_164] : memref<512xi32, #tpu.memory_space<vmem>> -> memref<128xi32, #tpu.memory_space<vmem>>
    %dma_wait3A_166 = arith.constant 0 : i32
    %dma_wait3A_167 = arith.constant 0 : i32
    %dma_wait3A_168 = tpu.memref_slice %arg6[%dma_wait3A_166, %dma_wait3A_167] : memref<1000000x32xf32, #tpu.memory_space<hbm>> -> memref<1000000x32xf32, #tpu.memory_space<hbm>>
    tpu.wait_indirect_dma semaphore(%arg22 : memref<!tpu.dma_semaphore, #tpu.memory_space<semaphore_mem>>) src(%dma_wait3A_168 : memref<1000000x32xf32, #tpu.memory_space<hbm>>) dst(%dma_wait3A_163 : memref<128x32xf32, #tpu.memory_space<vmem>>)
    %dma_wait3A_169 = arith.constant 128 : i32
    %dma_wait3A_170 = arith.constant 0 : i32
    %dma_wait3A_171 = tpu.memref_slice %arg19[%dma_wait3A_169, %dma_wait3A_170] : memref<512x32xf32, #tpu.memory_space<vmem>> -> memref<128x32xf32, #tpu.memory_space<vmem>>
    %dma_wait3A_172 = arith.constant 128 : i32
    %dma_wait3A_173 = tpu.memref_slice %arg15[%dma_wait3A_172] : memref<512xi32, #tpu.memory_space<vmem>> -> memref<128xi32, #tpu.memory_space<vmem>>
    %dma_wait3A_174 = arith.constant 0 : i32
    %dma_wait3A_175 = arith.constant 0 : i32
    %dma_wait3A_176 = tpu.memref_slice %arg7[%dma_wait3A_174, %dma_wait3A_175] : memref<1000000x32xf32, #tpu.memory_space<hbm>> -> memref<1000000x32xf32, #tpu.memory_space<hbm>>
    tpu.wait_indirect_dma semaphore(%arg22 : memref<!tpu.dma_semaphore, #tpu.memory_space<semaphore_mem>>) src(%dma_wait3A_176 : memref<1000000x32xf32, #tpu.memory_space<hbm>>) dst(%dma_wait3A_171 : memref<128x32xf32, #tpu.memory_space<vmem>>)
    %dma_wait3A_177 = arith.constant 128 : i32
    %dma_wait3A_178 = arith.constant 0 : i32
    %dma_wait3A_179 = tpu.memref_slice %arg20[%dma_wait3A_177, %dma_wait3A_178] : memref<512x16xf32, #tpu.memory_space<vmem>> -> memref<128x16xf32, #tpu.memory_space<vmem>>
    %dma_wait3A_180 = arith.constant 128 : i32
    %dma_wait3A_181 = tpu.memref_slice %arg16[%dma_wait3A_180] : memref<512xi32, #tpu.memory_space<vmem>> -> memref<128xi32, #tpu.memory_space<vmem>>
    %dma_wait3A_182 = arith.constant 0 : i32
    %dma_wait3A_183 = arith.constant 0 : i32
    %dma_wait3A_184 = tpu.memref_slice %arg8[%dma_wait3A_182, %dma_wait3A_183] : memref<62500x16xf32, #tpu.memory_space<hbm>> -> memref<62500x16xf32, #tpu.memory_space<hbm>>
    tpu.wait_indirect_dma semaphore(%arg22 : memref<!tpu.dma_semaphore, #tpu.memory_space<semaphore_mem>>) src(%dma_wait3A_184 : memref<62500x16xf32, #tpu.memory_space<hbm>>) dst(%dma_wait3A_179 : memref<128x16xf32, #tpu.memory_space<vmem>>)
    %dma_wait3A_185 = arith.constant 128 : i32
    %dma_wait3A_186 = arith.constant 0 : i32
    %dma_wait3A_187 = tpu.memref_slice %arg21[%dma_wait3A_185, %dma_wait3A_186] : memref<512x16xf32, #tpu.memory_space<vmem>> -> memref<128x16xf32, #tpu.memory_space<vmem>>
    %dma_wait3A_188 = arith.constant 128 : i32
    %dma_wait3A_189 = tpu.memref_slice %arg17[%dma_wait3A_188] : memref<512xi32, #tpu.memory_space<vmem>> -> memref<128xi32, #tpu.memory_space<vmem>>
    %dma_wait3A_190 = arith.constant 0 : i32
    %dma_wait3A_191 = arith.constant 0 : i32
    %dma_wait3A_192 = tpu.memref_slice %arg9[%dma_wait3A_190, %dma_wait3A_191] : memref<62500x16xf32, #tpu.memory_space<hbm>> -> memref<62500x16xf32, #tpu.memory_space<hbm>>
    tpu.wait_indirect_dma semaphore(%arg22 : memref<!tpu.dma_semaphore, #tpu.memory_space<semaphore_mem>>) src(%dma_wait3A_192 : memref<62500x16xf32, #tpu.memory_space<hbm>>) dst(%dma_wait3A_187 : memref<128x16xf32, #tpu.memory_space<vmem>>)
    %dma_wait3A_193 = arith.constant 256 : i32
    %dma_wait3A_194 = arith.constant 0 : i32
    %dma_wait3A_195 = tpu.memref_slice %arg18[%dma_wait3A_193, %dma_wait3A_194] : memref<512x32xf32, #tpu.memory_space<vmem>> -> memref<128x32xf32, #tpu.memory_space<vmem>>
    %dma_wait3A_196 = arith.constant 256 : i32
    %dma_wait3A_197 = tpu.memref_slice %arg14[%dma_wait3A_196] : memref<512xi32, #tpu.memory_space<vmem>> -> memref<128xi32, #tpu.memory_space<vmem>>
    %dma_wait3A_198 = arith.constant 0 : i32
    %dma_wait3A_199 = arith.constant 0 : i32
    %dma_wait3A_200 = tpu.memref_slice %arg6[%dma_wait3A_198, %dma_wait3A_199] : memref<1000000x32xf32, #tpu.memory_space<hbm>> -> memref<1000000x32xf32, #tpu.memory_space<hbm>>
    tpu.wait_indirect_dma semaphore(%arg22 : memref<!tpu.dma_semaphore, #tpu.memory_space<semaphore_mem>>) src(%dma_wait3A_200 : memref<1000000x32xf32, #tpu.memory_space<hbm>>) dst(%dma_wait3A_195 : memref<128x32xf32, #tpu.memory_space<vmem>>)
    %dma_wait3A_201 = arith.constant 256 : i32
    %dma_wait3A_202 = arith.constant 0 : i32
    %dma_wait3A_203 = tpu.memref_slice %arg19[%dma_wait3A_201, %dma_wait3A_202] : memref<512x32xf32, #tpu.memory_space<vmem>> -> memref<128x32xf32, #tpu.memory_space<vmem>>
    %dma_wait3A_204 = arith.constant 256 : i32
    %dma_wait3A_205 = tpu.memref_slice %arg15[%dma_wait3A_204] : memref<512xi32, #tpu.memory_space<vmem>> -> memref<128xi32, #tpu.memory_space<vmem>>
    %dma_wait3A_206 = arith.constant 0 : i32
    %dma_wait3A_207 = arith.constant 0 : i32
    %dma_wait3A_208 = tpu.memref_slice %arg7[%dma_wait3A_206, %dma_wait3A_207] : memref<1000000x32xf32, #tpu.memory_space<hbm>> -> memref<1000000x32xf32, #tpu.memory_space<hbm>>
    tpu.wait_indirect_dma semaphore(%arg22 : memref<!tpu.dma_semaphore, #tpu.memory_space<semaphore_mem>>) src(%dma_wait3A_208 : memref<1000000x32xf32, #tpu.memory_space<hbm>>) dst(%dma_wait3A_203 : memref<128x32xf32, #tpu.memory_space<vmem>>)
    %dma_wait3A_209 = arith.constant 256 : i32
    %dma_wait3A_210 = arith.constant 0 : i32
    %dma_wait3A_211 = tpu.memref_slice %arg20[%dma_wait3A_209, %dma_wait3A_210] : memref<512x16xf32, #tpu.memory_space<vmem>> -> memref<128x16xf32, #tpu.memory_space<vmem>>
    %dma_wait3A_212 = arith.constant 256 : i32
    %dma_wait3A_213 = tpu.memref_slice %arg16[%dma_wait3A_212] : memref<512xi32, #tpu.memory_space<vmem>> -> memref<128xi32, #tpu.memory_space<vmem>>
    %dma_wait3A_214 = arith.constant 0 : i32
    %dma_wait3A_215 = arith.constant 0 : i32
    %dma_wait3A_216 = tpu.memref_slice %arg8[%dma_wait3A_214, %dma_wait3A_215] : memref<62500x16xf32, #tpu.memory_space<hbm>> -> memref<62500x16xf32, #tpu.memory_space<hbm>>
    tpu.wait_indirect_dma semaphore(%arg22 : memref<!tpu.dma_semaphore, #tpu.memory_space<semaphore_mem>>) src(%dma_wait3A_216 : memref<62500x16xf32, #tpu.memory_space<hbm>>) dst(%dma_wait3A_211 : memref<128x16xf32, #tpu.memory_space<vmem>>)
    %dma_wait3A_217 = arith.constant 256 : i32
    %dma_wait3A_218 = arith.constant 0 : i32
    %dma_wait3A_219 = tpu.memref_slice %arg21[%dma_wait3A_217, %dma_wait3A_218] : memref<512x16xf32, #tpu.memory_space<vmem>> -> memref<128x16xf32, #tpu.memory_space<vmem>>
    %dma_wait3A_220 = arith.constant 256 : i32
    %dma_wait3A_221 = tpu.memref_slice %arg17[%dma_wait3A_220] : memref<512xi32, #tpu.memory_space<vmem>> -> memref<128xi32, #tpu.memory_space<vmem>>
    %dma_wait3A_222 = arith.constant 0 : i32
    %dma_wait3A_223 = arith.constant 0 : i32
    %dma_wait3A_224 = tpu.memref_slice %arg9[%dma_wait3A_222, %dma_wait3A_223] : memref<62500x16xf32, #tpu.memory_space<hbm>> -> memref<62500x16xf32, #tpu.memory_space<hbm>>
    tpu.wait_indirect_dma semaphore(%arg22 : memref<!tpu.dma_semaphore, #tpu.memory_space<semaphore_mem>>) src(%dma_wait3A_224 : memref<62500x16xf32, #tpu.memory_space<hbm>>) dst(%dma_wait3A_219 : memref<128x16xf32, #tpu.memory_space<vmem>>)
    %dma_wait3A_225 = arith.constant 384 : i32
    %dma_wait3A_226 = arith.constant 0 : i32
    %dma_wait3A_227 = tpu.memref_slice %arg18[%dma_wait3A_225, %dma_wait3A_226] : memref<512x32xf32, #tpu.memory_space<vmem>> -> memref<128x32xf32, #tpu.memory_space<vmem>>
    %dma_wait3A_228 = arith.constant 384 : i32
    %dma_wait3A_229 = tpu.memref_slice %arg14[%dma_wait3A_228] : memref<512xi32, #tpu.memory_space<vmem>> -> memref<128xi32, #tpu.memory_space<vmem>>
    %dma_wait3A_230 = arith.constant 0 : i32
    %dma_wait3A_231 = arith.constant 0 : i32
    %dma_wait3A_232 = tpu.memref_slice %arg6[%dma_wait3A_230, %dma_wait3A_231] : memref<1000000x32xf32, #tpu.memory_space<hbm>> -> memref<1000000x32xf32, #tpu.memory_space<hbm>>
    tpu.wait_indirect_dma semaphore(%arg22 : memref<!tpu.dma_semaphore, #tpu.memory_space<semaphore_mem>>) src(%dma_wait3A_232 : memref<1000000x32xf32, #tpu.memory_space<hbm>>) dst(%dma_wait3A_227 : memref<128x32xf32, #tpu.memory_space<vmem>>)
    %dma_wait3A_233 = arith.constant 384 : i32
    %dma_wait3A_234 = arith.constant 0 : i32
    %dma_wait3A_235 = tpu.memref_slice %arg19[%dma_wait3A_233, %dma_wait3A_234] : memref<512x32xf32, #tpu.memory_space<vmem>> -> memref<128x32xf32, #tpu.memory_space<vmem>>
    %dma_wait3A_236 = arith.constant 384 : i32
    %dma_wait3A_237 = tpu.memref_slice %arg15[%dma_wait3A_236] : memref<512xi32, #tpu.memory_space<vmem>> -> memref<128xi32, #tpu.memory_space<vmem>>
    %dma_wait3A_238 = arith.constant 0 : i32
    %dma_wait3A_239 = arith.constant 0 : i32
    %dma_wait3A_240 = tpu.memref_slice %arg7[%dma_wait3A_238, %dma_wait3A_239] : memref<1000000x32xf32, #tpu.memory_space<hbm>> -> memref<1000000x32xf32, #tpu.memory_space<hbm>>
    tpu.wait_indirect_dma semaphore(%arg22 : memref<!tpu.dma_semaphore, #tpu.memory_space<semaphore_mem>>) src(%dma_wait3A_240 : memref<1000000x32xf32, #tpu.memory_space<hbm>>) dst(%dma_wait3A_235 : memref<128x32xf32, #tpu.memory_space<vmem>>)
    %dma_wait3A_241 = arith.constant 384 : i32
    %dma_wait3A_242 = arith.constant 0 : i32
    %dma_wait3A_243 = tpu.memref_slice %arg20[%dma_wait3A_241, %dma_wait3A_242] : memref<512x16xf32, #tpu.memory_space<vmem>> -> memref<128x16xf32, #tpu.memory_space<vmem>>
    %dma_wait3A_244 = arith.constant 384 : i32
    %dma_wait3A_245 = tpu.memref_slice %arg16[%dma_wait3A_244] : memref<512xi32, #tpu.memory_space<vmem>> -> memref<128xi32, #tpu.memory_space<vmem>>
    %dma_wait3A_246 = arith.constant 0 : i32
    %dma_wait3A_247 = arith.constant 0 : i32
    %dma_wait3A_248 = tpu.memref_slice %arg8[%dma_wait3A_246, %dma_wait3A_247] : memref<62500x16xf32, #tpu.memory_space<hbm>> -> memref<62500x16xf32, #tpu.memory_space<hbm>>
    tpu.wait_indirect_dma semaphore(%arg22 : memref<!tpu.dma_semaphore, #tpu.memory_space<semaphore_mem>>) src(%dma_wait3A_248 : memref<62500x16xf32, #tpu.memory_space<hbm>>) dst(%dma_wait3A_243 : memref<128x16xf32, #tpu.memory_space<vmem>>)
    %dma_wait3A_249 = arith.constant 384 : i32
    %dma_wait3A_250 = arith.constant 0 : i32
    %dma_wait3A_251 = tpu.memref_slice %arg21[%dma_wait3A_249, %dma_wait3A_250] : memref<512x16xf32, #tpu.memory_space<vmem>> -> memref<128x16xf32, #tpu.memory_space<vmem>>
    %dma_wait3A_252 = arith.constant 384 : i32
    %dma_wait3A_253 = tpu.memref_slice %arg17[%dma_wait3A_252] : memref<512xi32, #tpu.memory_space<vmem>> -> memref<128xi32, #tpu.memory_space<vmem>>
    %dma_wait3A_254 = arith.constant 0 : i32
    %dma_wait3A_255 = arith.constant 0 : i32
    %dma_wait3A_256 = tpu.memref_slice %arg9[%dma_wait3A_254, %dma_wait3A_255] : memref<62500x16xf32, #tpu.memory_space<hbm>> -> memref<62500x16xf32, #tpu.memory_space<hbm>>
    tpu.wait_indirect_dma semaphore(%arg22 : memref<!tpu.dma_semaphore, #tpu.memory_space<semaphore_mem>>) src(%dma_wait3A_256 : memref<62500x16xf32, #tpu.memory_space<hbm>>) dst(%dma_wait3A_251 : memref<128x16xf32, #tpu.memory_space<vmem>>)
    "tpu.region"() ({
      %run_scoped3A = tpu.sem_alloc : memref<!tpu.dma_semaphore, #tpu.memory_space<semaphore_mem>>
      %dma_start3A_257 = arith.constant 0 : i32
      %dma_start3A_258 = tpu.memref_slice %arg10[%mul3A_2, %dma_start3A_257] : memref<16384x32xf32, #tpu.memory_space<hbm>> -> memref<512x32xf32, #tpu.memory_space<hbm>>
      %dma_start3A_259 = arith.constant 0 : i32
      %dma_start3A_260 = tpu.memref_slice %arg10[%mul3A_2, %dma_start3A_259] : memref<16384x32xf32, #tpu.memory_space<hbm>> -> memref<512x32xf32, #tpu.memory_space<hbm>>
      tpu.enqueue_dma source(%arg18 : memref<512x32xf32, #tpu.memory_space<vmem>>) target(%dma_start3A_260 : memref<512x32xf32, #tpu.memory_space<hbm>>) target_semaphore(%run_scoped3A : memref<!tpu.dma_semaphore, #tpu.memory_space<semaphore_mem>>)
      %dma_wait3A_261 = arith.constant 0 : i32
      %dma_wait3A_262 = tpu.memref_slice %arg10[%mul3A_2, %dma_wait3A_261] : memref<16384x32xf32, #tpu.memory_space<hbm>> -> memref<512x32xf32, #tpu.memory_space<hbm>>
      %dma_wait3A_263 = arith.constant 0 : i32
      %dma_wait3A_264 = tpu.memref_slice %arg10[%mul3A_2, %dma_wait3A_263] : memref<16384x32xf32, #tpu.memory_space<hbm>> -> memref<512x32xf32, #tpu.memory_space<hbm>>
      tpu.wait_dma2 semaphore(%run_scoped3A : memref<!tpu.dma_semaphore, #tpu.memory_space<semaphore_mem>>) src(%arg18 : memref<512x32xf32, #tpu.memory_space<vmem>>) dst(%dma_wait3A_264 : memref<512x32xf32, #tpu.memory_space<hbm>>)
      tpu.yield
    }) : () -> ()
    "tpu.region"() ({
      %run_scoped3A = tpu.sem_alloc : memref<!tpu.dma_semaphore, #tpu.memory_space<semaphore_mem>>
      %dma_start3A_257 = arith.constant 0 : i32
      %dma_start3A_258 = tpu.memref_slice %arg11[%mul3A_2, %dma_start3A_257] : memref<16384x32xf32, #tpu.memory_space<hbm>> -> memref<512x32xf32, #tpu.memory_space<hbm>>
      %dma_start3A_259 = arith.constant 0 : i32
      %dma_start3A_260 = tpu.memref_slice %arg11[%mul3A_2, %dma_start3A_259] : memref<16384x32xf32, #tpu.memory_space<hbm>> -> memref<512x32xf32, #tpu.memory_space<hbm>>
      tpu.enqueue_dma source(%arg19 : memref<512x32xf32, #tpu.memory_space<vmem>>) target(%dma_start3A_260 : memref<512x32xf32, #tpu.memory_space<hbm>>) target_semaphore(%run_scoped3A : memref<!tpu.dma_semaphore, #tpu.memory_space<semaphore_mem>>)
      %dma_wait3A_261 = arith.constant 0 : i32
      %dma_wait3A_262 = tpu.memref_slice %arg11[%mul3A_2, %dma_wait3A_261] : memref<16384x32xf32, #tpu.memory_space<hbm>> -> memref<512x32xf32, #tpu.memory_space<hbm>>
      %dma_wait3A_263 = arith.constant 0 : i32
      %dma_wait3A_264 = tpu.memref_slice %arg11[%mul3A_2, %dma_wait3A_263] : memref<16384x32xf32, #tpu.memory_space<hbm>> -> memref<512x32xf32, #tpu.memory_space<hbm>>
      tpu.wait_dma2 semaphore(%run_scoped3A : memref<!tpu.dma_semaphore, #tpu.memory_space<semaphore_mem>>) src(%arg19 : memref<512x32xf32, #tpu.memory_space<vmem>>) dst(%dma_wait3A_264 : memref<512x32xf32, #tpu.memory_space<hbm>>)
      tpu.yield
    }) : () -> ()
    "tpu.region"() ({
      %run_scoped3A = tpu.sem_alloc : memref<!tpu.dma_semaphore, #tpu.memory_space<semaphore_mem>>
      %dma_start3A_257 = arith.constant 0 : i32
      %dma_start3A_258 = tpu.memref_slice %arg12[%mul3A_2, %dma_start3A_257] : memref<16384x16xf32, #tpu.memory_space<hbm>> -> memref<512x16xf32, #tpu.memory_space<hbm>>
      %dma_start3A_259 = arith.constant 0 : i32
      %dma_start3A_260 = tpu.memref_slice %arg12[%mul3A_2, %dma_start3A_259] : memref<16384x16xf32, #tpu.memory_space<hbm>> -> memref<512x16xf32, #tpu.memory_space<hbm>>
      tpu.enqueue_dma source(%arg20 : memref<512x16xf32, #tpu.memory_space<vmem>>) target(%dma_start3A_260 : memref<512x16xf32, #tpu.memory_space<hbm>>) target_semaphore(%run_scoped3A : memref<!tpu.dma_semaphore, #tpu.memory_space<semaphore_mem>>)
      %dma_wait3A_261 = arith.constant 0 : i32
      %dma_wait3A_262 = tpu.memref_slice %arg12[%mul3A_2, %dma_wait3A_261] : memref<16384x16xf32, #tpu.memory_space<hbm>> -> memref<512x16xf32, #tpu.memory_space<hbm>>
      %dma_wait3A_263 = arith.constant 0 : i32
      %dma_wait3A_264 = tpu.memref_slice %arg12[%mul3A_2, %dma_wait3A_263] : memref<16384x16xf32, #tpu.memory_space<hbm>> -> memref<512x16xf32, #tpu.memory_space<hbm>>
      tpu.wait_dma2 semaphore(%run_scoped3A : memref<!tpu.dma_semaphore, #tpu.memory_space<semaphore_mem>>) src(%arg20 : memref<512x16xf32, #tpu.memory_space<vmem>>) dst(%dma_wait3A_264 : memref<512x16xf32, #tpu.memory_space<hbm>>)
      tpu.yield
    }) : () -> ()
    "tpu.region"() ({
      %run_scoped3A = tpu.sem_alloc : memref<!tpu.dma_semaphore, #tpu.memory_space<semaphore_mem>>
      %dma_start3A_257 = arith.constant 0 : i32
      %dma_start3A_258 = tpu.memref_slice %arg13[%mul3A_2, %dma_start3A_257] : memref<16384x16xf32, #tpu.memory_space<hbm>> -> memref<512x16xf32, #tpu.memory_space<hbm>>
      %dma_start3A_259 = arith.constant 0 : i32
      %dma_start3A_260 = tpu.memref_slice %arg13[%mul3A_2, %dma_start3A_259] : memref<16384x16xf32, #tpu.memory_space<hbm>> -> memref<512x16xf32, #tpu.memory_space<hbm>>
      tpu.enqueue_dma source(%arg21 : memref<512x16xf32, #tpu.memory_space<vmem>>) target(%dma_start3A_260 : memref<512x16xf32, #tpu.memory_space<hbm>>) target_semaphore(%run_scoped3A : memref<!tpu.dma_semaphore, #tpu.memory_space<semaphore_mem>>)
      %dma_wait3A_261 = arith.constant 0 : i32
      %dma_wait3A_262 = tpu.memref_slice %arg13[%mul3A_2, %dma_wait3A_261] : memref<16384x16xf32, #tpu.memory_space<hbm>> -> memref<512x16xf32, #tpu.memory_space<hbm>>
      %dma_wait3A_263 = arith.constant 0 : i32
      %dma_wait3A_264 = tpu.memref_slice %arg13[%mul3A_2, %dma_wait3A_263] : memref<16384x16xf32, #tpu.memory_space<hbm>> -> memref<512x16xf32, #tpu.memory_space<hbm>>
      tpu.wait_dma2 semaphore(%run_scoped3A : memref<!tpu.dma_semaphore, #tpu.memory_space<semaphore_mem>>) src(%arg21 : memref<512x16xf32, #tpu.memory_space<vmem>>) dst(%dma_wait3A_264 : memref<512x16xf32, #tpu.memory_space<hbm>>)
      tpu.yield
    }) : () -> ()
    return
  }
}

module attributes {stable_mosaic.version = 14 : i64} {
  func.func @_dense_body(%arg0: i32, %arg1: memref<2048x32xf32, #tpu.memory_space<vmem>>, %arg2: memref<2048x32xf32, #tpu.memory_space<vmem>>, %arg3: memref<2048x50xf32, #tpu.memory_space<vmem>>, %arg4: memref<2048x16xf32, #tpu.memory_space<vmem>>, %arg5: memref<2048x16xf32, #tpu.memory_space<vmem>>, %arg6: memref<2048xi32, #tpu.memory_space<vmem>>, %arg7: memref<2048xi32, #tpu.memory_space<vmem>>, %arg8: memref<50x32xf32, #tpu.memory_space<vmem>>, %arg9: memref<1x32xf32, #tpu.memory_space<vmem>>, %arg10: memref<1x50xf32, #tpu.memory_space<vmem>>, %arg11: memref<32x64xf32, #tpu.memory_space<vmem>>, %arg12: memref<32x64xf32, #tpu.memory_space<vmem>>, %arg13: memref<32x64xf32, #tpu.memory_space<vmem>>, %arg14: memref<1x64xf32, #tpu.memory_space<vmem>>, %arg15: memref<64x32xf32, #tpu.memory_space<vmem>>, %arg16: memref<1x32xf32, #tpu.memory_space<vmem>>, %arg17: memref<1x32xf32, #tpu.memory_space<vmem>>, %arg18: memref<1x1xf32, #tpu.memory_space<vmem>>, %arg19: memref<2048xf32, #tpu.memory_space<vmem>>) attributes {dimension_semantics = [#tpu.dimension_semantics<arbitrary>], iteration_bounds = array<i64: 8>, scalar_prefetch = 0 : i64, scratch_operands = 0 : i64, tpu.core_type = #tpu.core_type<tc>, window_params = [{transform_indices = @transform_0, window_bounds = array<i64: 2048, 32>}, {transform_indices = @transform_1, window_bounds = array<i64: 2048, 32>}, {transform_indices = @transform_2, window_bounds = array<i64: 2048, 50>}, {transform_indices = @transform_3, window_bounds = array<i64: 2048, 16>}, {transform_indices = @transform_4, window_bounds = array<i64: 2048, 16>}, {transform_indices = @transform_5, window_bounds = array<i64: 2048>}, {transform_indices = @transform_6, window_bounds = array<i64: 2048>}, {pipeline_mode = #tpu.pipeline_mode<synchronous>, transform_indices = @transform_7, window_bounds = array<i64: 50, 32>}, {pipeline_mode = #tpu.pipeline_mode<synchronous>, transform_indices = @transform_8, window_bounds = array<i64: 1, 32>}, {pipeline_mode = #tpu.pipeline_mode<synchronous>, transform_indices = @transform_9, window_bounds = array<i64: 1, 50>}, {pipeline_mode = #tpu.pipeline_mode<synchronous>, transform_indices = @transform_10, window_bounds = array<i64: 32, 64>}, {pipeline_mode = #tpu.pipeline_mode<synchronous>, transform_indices = @transform_11, window_bounds = array<i64: 32, 64>}, {pipeline_mode = #tpu.pipeline_mode<synchronous>, transform_indices = @transform_12, window_bounds = array<i64: 32, 64>}, {pipeline_mode = #tpu.pipeline_mode<synchronous>, transform_indices = @transform_13, window_bounds = array<i64: 1, 64>}, {pipeline_mode = #tpu.pipeline_mode<synchronous>, transform_indices = @transform_14, window_bounds = array<i64: 64, 32>}, {pipeline_mode = #tpu.pipeline_mode<synchronous>, transform_indices = @transform_15, window_bounds = array<i64: 1, 32>}, {pipeline_mode = #tpu.pipeline_mode<synchronous>, transform_indices = @transform_16, window_bounds = array<i64: 1, 32>}, {pipeline_mode = #tpu.pipeline_mode<synchronous>, transform_indices = @transform_17, window_bounds = array<i64: 1, 1>}, {transform_indices = @transform_18, window_bounds = array<i64: 2048>}]} {
    %get3A = arith.constant 0 : index
    %get3A_0 = arith.constant 0 : index
    %get3A_1 = vector.load %arg1[%get3A, %get3A_0] : memref<2048x32xf32, #tpu.memory_space<vmem>>, vector<2048x32xf32>
    %get3A_2 = arith.constant 0 : index
    %get3A_3 = arith.constant 0 : index
    %get3A_4 = vector.load %arg2[%get3A_2, %get3A_3] : memref<2048x32xf32, #tpu.memory_space<vmem>>, vector<2048x32xf32>
    %get3A_5 = arith.constant 0 : index
    %get3A_6 = arith.constant 0 : index
    %get3A_7 = vector.load %arg3[%get3A_5, %get3A_6] : memref<2048x50xf32, #tpu.memory_space<vmem>>, vector<2048x50xf32>
    %get3A_8 = arith.constant 0 : index
    %get3A_9 = arith.constant 0 : index
    %get3A_10 = vector.load %arg8[%get3A_8, %get3A_9] : memref<50x32xf32, #tpu.memory_space<vmem>>, vector<50x32xf32>
    %dot_general3A = arith.constant dense<0.000000e+00> : vector<2048x32xf32>
    %dot_general3A_11 = tpu.matmul %get3A_7, %get3A_10, %dot_general3A {dimension_numbers = #tpu.dot_dimension_numbers<[1], [0], [0], [1], [0, 0, 1, 1], [], []>, transpose_lhs_hint = false} : vector<2048x50xf32>, vector<50x32xf32>, vector<2048x32xf32> -> vector<2048x32xf32>
    %get3A_12 = arith.constant 0 : index
    %get3A_13 = arith.constant 0 : index
    %get3A_14 = vector.load %arg9[%get3A_12, %get3A_13] : memref<1x32xf32, #tpu.memory_space<vmem>>, vector<1x32xf32>
    %add3A = vector.broadcast %get3A_14 : vector<1x32xf32> to vector<2048x32xf32>
    %add3A_15 = arith.addf %dot_general3A_11, %add3A : vector<2048x32xf32>
    %mul3A = arith.mulf %get3A_1, %get3A_4 : vector<2048x32xf32>
    %add3A_16 = arith.addf %get3A_1, %get3A_4 : vector<2048x32xf32>
    %mul3A_17 = arith.mulf %add3A_16, %add3A_15 : vector<2048x32xf32>
    %add3A_18 = arith.addf %mul3A, %mul3A_17 : vector<2048x32xf32>
    %reduce_sum3A = arith.constant dense<0.000000e+00> : vector<2048xf32>
    %reduce_sum3A_19 = vector.multi_reduction <add>, %add3A_18, %reduce_sum3A [1] : vector<2048x32xf32> to vector<2048xf32>
    %get3A_20 = arith.constant 0 : index
    %get3A_21 = arith.constant 0 : index
    %get3A_22 = vector.load %arg10[%get3A_20, %get3A_21] : memref<1x50xf32, #tpu.memory_space<vmem>>, vector<1x50xf32>
    %mul3A_23 = vector.broadcast %get3A_22 : vector<1x50xf32> to vector<2048x50xf32>
    %mul3A_24 = arith.mulf %get3A_7, %mul3A_23 : vector<2048x50xf32>
    %reduce_sum3A_25 = arith.constant dense<0.000000e+00> : vector<2048xf32>
    %reduce_sum3A_26 = vector.multi_reduction <add>, %mul3A_24, %reduce_sum3A_25 [1] : vector<2048x50xf32> to vector<2048xf32>
    %iota3A = tpu.iota {dimensions = array<i32: 1>} : vector<1x16xi32>
    %get3A_27 = arith.constant 0 : index
    %get3A_28 = vector.load %arg6[%get3A_27] : memref<2048xi32, #tpu.memory_space<vmem>>, vector<2048xi32>
    %broadcast_in_dim3A = vector.shape_cast %get3A_28 : vector<2048xi32> to vector<2048x1xi32>
    %eq3A = vector.broadcast %broadcast_in_dim3A : vector<2048x1xi32> to vector<2048x16xi32>
    %eq3A_29 = vector.broadcast %iota3A : vector<1x16xi32> to vector<2048x16xi32>
    %eq3A_30 = arith.cmpi eq, %eq3A, %eq3A_29 : vector<2048x16xi32>
    %get3A_31 = arith.constant 0 : index
    %get3A_32 = arith.constant 0 : index
    %get3A_33 = vector.load %arg4[%get3A_31, %get3A_32] : memref<2048x16xf32, #tpu.memory_space<vmem>>, vector<2048x16xf32>
    %jit3A = arith.constant 0.000000e+00 : f32
    %broadcast_in_dim3A_34 = vector.broadcast %jit3A : f32 to vector<2048x16xf32>
    %select_n3A = arith.select %eq3A_30, %get3A_33, %broadcast_in_dim3A_34 : vector<2048x16xi1>, vector<2048x16xf32>
    %reduce_sum3A_35 = arith.constant dense<0.000000e+00> : vector<2048xf32>
    %reduce_sum3A_36 = vector.multi_reduction <add>, %select_n3A, %reduce_sum3A_35 [1] : vector<2048x16xf32> to vector<2048xf32>
    %get3A_37 = arith.constant 0 : index
    %get3A_38 = vector.load %arg7[%get3A_37] : memref<2048xi32, #tpu.memory_space<vmem>>, vector<2048xi32>
    %broadcast_in_dim3A_39 = vector.shape_cast %get3A_38 : vector<2048xi32> to vector<2048x1xi32>
    %eq3A_40 = vector.broadcast %broadcast_in_dim3A_39 : vector<2048x1xi32> to vector<2048x16xi32>
    %eq3A_41 = vector.broadcast %iota3A : vector<1x16xi32> to vector<2048x16xi32>
    %eq3A_42 = arith.cmpi eq, %eq3A_40, %eq3A_41 : vector<2048x16xi32>
    %get3A_43 = arith.constant 0 : index
    %get3A_44 = arith.constant 0 : index
    %get3A_45 = vector.load %arg5[%get3A_43, %get3A_44] : memref<2048x16xf32, #tpu.memory_space<vmem>>, vector<2048x16xf32>
    %jit3A_46 = arith.constant 0.000000e+00 : f32
    %broadcast_in_dim3A_47 = vector.broadcast %jit3A_46 : f32 to vector<2048x16xf32>
    %select_n3A_48 = arith.select %eq3A_42, %get3A_45, %broadcast_in_dim3A_47 : vector<2048x16xi1>, vector<2048x16xf32>
    %reduce_sum3A_49 = arith.constant dense<0.000000e+00> : vector<2048xf32>
    %reduce_sum3A_50 = vector.multi_reduction <add>, %select_n3A_48, %reduce_sum3A_49 [1] : vector<2048x16xf32> to vector<2048xf32>
    %add3A_51 = arith.addf %reduce_sum3A_36, %reduce_sum3A_50 : vector<2048xf32>
    %add3A_52 = arith.addf %add3A_51, %reduce_sum3A_26 : vector<2048xf32>
    %get3A_53 = arith.constant 0 : index
    %get3A_54 = arith.constant 0 : index
    %get3A_55 = vector.load %arg11[%get3A_53, %get3A_54] : memref<32x64xf32, #tpu.memory_space<vmem>>, vector<32x64xf32>
    %dot_general3A_56 = arith.constant dense<0.000000e+00> : vector<2048x64xf32>
    %dot_general3A_57 = tpu.matmul %get3A_1, %get3A_55, %dot_general3A_56 {dimension_numbers = #tpu.dot_dimension_numbers<[1], [0], [0], [1], [0, 0, 1, 1], [], []>, transpose_lhs_hint = false} : vector<2048x32xf32>, vector<32x64xf32>, vector<2048x64xf32> -> vector<2048x64xf32>
    %get3A_58 = arith.constant 0 : index
    %get3A_59 = arith.constant 0 : index
    %get3A_60 = vector.load %arg12[%get3A_58, %get3A_59] : memref<32x64xf32, #tpu.memory_space<vmem>>, vector<32x64xf32>
    %dot_general3A_61 = arith.constant dense<0.000000e+00> : vector<2048x64xf32>
    %dot_general3A_62 = tpu.matmul %get3A_4, %get3A_60, %dot_general3A_61 {dimension_numbers = #tpu.dot_dimension_numbers<[1], [0], [0], [1], [0, 0, 1, 1], [], []>, transpose_lhs_hint = false} : vector<2048x32xf32>, vector<32x64xf32>, vector<2048x64xf32> -> vector<2048x64xf32>
    %add3A_63 = arith.addf %dot_general3A_57, %dot_general3A_62 : vector<2048x64xf32>
    %get3A_64 = arith.constant 0 : index
    %get3A_65 = arith.constant 0 : index
    %get3A_66 = vector.load %arg13[%get3A_64, %get3A_65] : memref<32x64xf32, #tpu.memory_space<vmem>>, vector<32x64xf32>
    %dot_general3A_67 = arith.constant dense<0.000000e+00> : vector<2048x64xf32>
    %dot_general3A_68 = tpu.matmul %add3A_15, %get3A_66, %dot_general3A_67 {dimension_numbers = #tpu.dot_dimension_numbers<[1], [0], [0], [1], [0, 0, 1, 1], [], []>, transpose_lhs_hint = false} : vector<2048x32xf32>, vector<32x64xf32>, vector<2048x64xf32> -> vector<2048x64xf32>
    %add3A_69 = arith.addf %add3A_63, %dot_general3A_68 : vector<2048x64xf32>
    %get3A_70 = arith.constant 0 : index
    %get3A_71 = arith.constant 0 : index
    %get3A_72 = vector.load %arg14[%get3A_70, %get3A_71] : memref<1x64xf32, #tpu.memory_space<vmem>>, vector<1x64xf32>
    %add3A_73 = vector.broadcast %get3A_72 : vector<1x64xf32> to vector<2048x64xf32>
    %add3A_74 = arith.addf %add3A_69, %add3A_73 : vector<2048x64xf32>
    %max3A = arith.constant 0.000000e+00 : f32
    %max3A_75 = vector.broadcast %max3A : f32 to vector<2048x64xf32>
    %max3A_76 = arith.maximumf %add3A_74, %max3A_75 : vector<2048x64xf32>
    %get3A_77 = arith.constant 0 : index
    %get3A_78 = arith.constant 0 : index
    %get3A_79 = vector.load %arg15[%get3A_77, %get3A_78] : memref<64x32xf32, #tpu.memory_space<vmem>>, vector<64x32xf32>
    %dot_general3A_80 = arith.constant dense<0.000000e+00> : vector<2048x32xf32>
    %dot_general3A_81 = tpu.matmul %max3A_76, %get3A_79, %dot_general3A_80 {dimension_numbers = #tpu.dot_dimension_numbers<[1], [0], [0], [1], [0, 0, 1, 1], [], []>, transpose_lhs_hint = false} : vector<2048x64xf32>, vector<64x32xf32>, vector<2048x32xf32> -> vector<2048x32xf32>
    %get3A_82 = arith.constant 0 : index
    %get3A_83 = arith.constant 0 : index
    %get3A_84 = vector.load %arg16[%get3A_82, %get3A_83] : memref<1x32xf32, #tpu.memory_space<vmem>>, vector<1x32xf32>
    %add3A_85 = vector.broadcast %get3A_84 : vector<1x32xf32> to vector<2048x32xf32>
    %add3A_86 = arith.addf %dot_general3A_81, %add3A_85 : vector<2048x32xf32>
    %max3A_87 = arith.constant 0.000000e+00 : f32
    %max3A_88 = vector.broadcast %max3A_87 : f32 to vector<2048x32xf32>
    %max3A_89 = arith.maximumf %add3A_86, %max3A_88 : vector<2048x32xf32>
    %get3A_90 = arith.constant 0 : index
    %get3A_91 = arith.constant 0 : index
    %get3A_92 = vector.load %arg17[%get3A_90, %get3A_91] : memref<1x32xf32, #tpu.memory_space<vmem>>, vector<1x32xf32>
    %mul3A_93 = vector.broadcast %get3A_92 : vector<1x32xf32> to vector<2048x32xf32>
    %mul3A_94 = arith.mulf %max3A_89, %mul3A_93 : vector<2048x32xf32>
    %reduce_sum3A_95 = arith.constant dense<0.000000e+00> : vector<2048xf32>
    %reduce_sum3A_96 = vector.multi_reduction <add>, %mul3A_94, %reduce_sum3A_95 [1] : vector<2048x32xf32> to vector<2048xf32>
    %add3A_97 = arith.addf %add3A_52, %reduce_sum3A_19 : vector<2048xf32>
    %add3A_98 = arith.addf %add3A_97, %reduce_sum3A_96 : vector<2048xf32>
    %get3A_99 = arith.constant 0 : index
    %get3A_100 = arith.constant 0 : index
    %get3A_101 = vector.load %arg18[%get3A_99, %get3A_100] : memref<1x1xf32, #tpu.memory_space<vmem>>, vector<1x1xf32>
    %get3A_102 = vector.extract %get3A_101[0, 0] : f32 from vector<1x1xf32>
    %add3A_103 = vector.broadcast %get3A_102 : f32 to vector<2048xf32>
    %add3A_104 = arith.addf %add3A_98, %add3A_103 : vector<2048xf32>
    %logistic3A = arith.negf %add3A_104 : vector<2048xf32>
    %logistic3A_105 = math.exp %logistic3A : vector<2048xf32>
    %logistic3A_106 = arith.constant 1.000000e+00 : f32
    %logistic3A_107 = vector.broadcast %logistic3A_106 : f32 to vector<2048xf32>
    %logistic3A_108 = arith.addf %logistic3A_107, %logistic3A_105 : vector<2048xf32>
    %logistic3A_109 = arith.divf %logistic3A_107, %logistic3A_108 : vector<2048xf32>
    %swap3A = arith.constant 0 : index
    %swap3A_110 = vector.load %arg19[%swap3A] : memref<2048xf32, #tpu.memory_space<vmem>>, vector<2048xf32>
    tpu.vector_store %arg19[%swap3A], %logistic3A_109 {strides = array<i32>} : memref<2048xf32, #tpu.memory_space<vmem>>, vector<2048xf32>,
    return
  }
  func.func @transform_0(%arg0: i32) -> (i32, i32) {
    %c0_i32 = arith.constant 0 : i32
    %c0_i32_0 = arith.constant 0 : i32
    return %arg0, %c0_i32 : i32, i32
  }
  func.func @transform_1(%arg0: i32) -> (i32, i32) {
    %c0_i32 = arith.constant 0 : i32
    %c0_i32_0 = arith.constant 0 : i32
    return %arg0, %c0_i32 : i32, i32
  }
  func.func @transform_2(%arg0: i32) -> (i32, i32) {
    %c0_i32 = arith.constant 0 : i32
    %c0_i32_0 = arith.constant 0 : i32
    return %arg0, %c0_i32 : i32, i32
  }
  func.func @transform_3(%arg0: i32) -> (i32, i32) {
    %c0_i32 = arith.constant 0 : i32
    %c0_i32_0 = arith.constant 0 : i32
    return %arg0, %c0_i32 : i32, i32
  }
  func.func @transform_4(%arg0: i32) -> (i32, i32) {
    %c0_i32 = arith.constant 0 : i32
    %c0_i32_0 = arith.constant 0 : i32
    return %arg0, %c0_i32 : i32, i32
  }
  func.func @transform_5(%arg0: i32) -> i32 {
    %c0_i32 = arith.constant 0 : i32
    return %arg0 : i32
  }
  func.func @transform_6(%arg0: i32) -> i32 {
    %c0_i32 = arith.constant 0 : i32
    return %arg0 : i32
  }
  func.func @transform_7(%arg0: i32) -> (i32, i32) {
    %c0_i32 = arith.constant 0 : i32
    %c0_i32_0 = arith.constant 0 : i32
    %c0_i32_1 = arith.constant 0 : i32
    return %c0_i32, %c0_i32_0 : i32, i32
  }
  func.func @transform_8(%arg0: i32) -> (i32, i32) {
    %c0_i32 = arith.constant 0 : i32
    %c0_i32_0 = arith.constant 0 : i32
    %c0_i32_1 = arith.constant 0 : i32
    return %c0_i32, %c0_i32_0 : i32, i32
  }
  func.func @transform_9(%arg0: i32) -> (i32, i32) {
    %c0_i32 = arith.constant 0 : i32
    %c0_i32_0 = arith.constant 0 : i32
    %c0_i32_1 = arith.constant 0 : i32
    return %c0_i32, %c0_i32_0 : i32, i32
  }
  func.func @transform_10(%arg0: i32) -> (i32, i32) {
    %c0_i32 = arith.constant 0 : i32
    %c0_i32_0 = arith.constant 0 : i32
    %c0_i32_1 = arith.constant 0 : i32
    return %c0_i32, %c0_i32_0 : i32, i32
  }
  func.func @transform_11(%arg0: i32) -> (i32, i32) {
    %c0_i32 = arith.constant 0 : i32
    %c0_i32_0 = arith.constant 0 : i32
    %c0_i32_1 = arith.constant 0 : i32
    return %c0_i32, %c0_i32_0 : i32, i32
  }
  func.func @transform_12(%arg0: i32) -> (i32, i32) {
    %c0_i32 = arith.constant 0 : i32
    %c0_i32_0 = arith.constant 0 : i32
    %c0_i32_1 = arith.constant 0 : i32
    return %c0_i32, %c0_i32_0 : i32, i32
  }
  func.func @transform_13(%arg0: i32) -> (i32, i32) {
    %c0_i32 = arith.constant 0 : i32
    %c0_i32_0 = arith.constant 0 : i32
    %c0_i32_1 = arith.constant 0 : i32
    return %c0_i32, %c0_i32_0 : i32, i32
  }
  func.func @transform_14(%arg0: i32) -> (i32, i32) {
    %c0_i32 = arith.constant 0 : i32
    %c0_i32_0 = arith.constant 0 : i32
    %c0_i32_1 = arith.constant 0 : i32
    return %c0_i32, %c0_i32_0 : i32, i32
  }
  func.func @transform_15(%arg0: i32) -> (i32, i32) {
    %c0_i32 = arith.constant 0 : i32
    %c0_i32_0 = arith.constant 0 : i32
    %c0_i32_1 = arith.constant 0 : i32
    return %c0_i32, %c0_i32_0 : i32, i32
  }
  func.func @transform_16(%arg0: i32) -> (i32, i32) {
    %c0_i32 = arith.constant 0 : i32
    %c0_i32_0 = arith.constant 0 : i32
    %c0_i32_1 = arith.constant 0 : i32
    return %c0_i32, %c0_i32_0 : i32, i32
  }
  func.func @transform_17(%arg0: i32) -> (i32, i32) {
    %c0_i32 = arith.constant 0 : i32
    %c0_i32_0 = arith.constant 0 : i32
    %c0_i32_1 = arith.constant 0 : i32
    return %c0_i32, %c0_i32_0 : i32, i32
  }
  func.func @transform_18(%arg0: i32) -> i32 {
    %c0_i32 = arith.constant 0 : i32
    return %arg0 : i32
  }
}

</mosaic_0001>

<sc_bundles>
// kernel: kernel.4.cloned.1.call-start
scs
__scs_entry_jumppad:
0x0: {  	(pc) =	sbr.rel $0x88, $3  }
0x1: {  	(tag) =	ssettag $0x0;
	lr =	simm.s32 $0x1  }
0x2: {  	[smem:$0x3F8F] =	sst lr;
	_ =	strace $0xD0000000  }
0x3: {  	_ = 	snop  }
0x4: {  	_ = 	snop  }
0x5: {  	_ = 	snop  }
0x6: {  	_ = 	snop  }
0x7: {  	_ = 	snop  }
__scs_overlays_trampoline_lowered:
0x8: {  	[smem:$0x3F9E] =	sst s0  }
0x9: {  	[smem:$0x3F9F] =	sst s1  }
0xa: {  	[smem:$0x3FA0] =	sst s2  }
0xb: {  	[smem:$0x3FA1] =	sst s3  }
0xc: {  	[smem:$0x3FA2] =	sst s4  }
0xd: {  	[smem:$0x3FA3] =	sst s5  }
0xe: {  	[smem:$0x3FA4] =	sst s6  }
0xf: {  	[smem:$0x3FA5] =	sst s7  }
0x10: {  	[smem:$0x3FA6] =	sst s8  }
0x11: {  	[smem:$0x3FA7] =	sst s9;
	s0 =	simm.s32 @!p0 $0x0  }
0x12: {  	s1 =	sld [smem:$0x3F8D];
	s0 =	simm.s32 @p0 $0x1  }
0x13: {  	[smem:$0x3FA8] =	sst s0;
	s0 =	simm.s32 @!p1 $0x0  }
0x14: {  	s2 =	sld [smem:$0x3F8C];
	s0 =	simm.s32 @p1 $0x1  }
0x15: {  	[smem:$0x3FA9] =	sst s0;
	s0 =	simm.s32 @!p2 $0x0  }
0x16: {  	s3 =	sld [smem:$0x3FDB];
	s0 =	simm.s32 @p2 $0x1  }
0x17: {  	s4 =	simm.s32 $0x1BF5;
	[smem:$0x3FAB] =	sst s0  }
0x18: {  	s0 =	sld [smem:$0x3F8E];
	_ =	swait.ge [sflag:s4], $0x0  }
0x19: {  	s7 =	sld [smem:$0x3F8F]  }
0x1a: {  	s8 =	sadd.s32 $0xFFFFE003, lr  }
0x1b: {  	s9 =	sadd.s32 $0xFFFFFEF7, lr;
	s5 =	simm.s32 $0xFFFFFFFF;
	p2 =	slt.u32 s8, $0xFFFFF086  }
0x1c: {  	p1 =	slt.u32 s9, $0xF7A;
	s5 =	simm.s32 @!p2 $0x0  }
0x1d: {  	s5 =	simm.s32 @p1 $0x1;
	p0 =	seq.s32 s7, s2  }
0x1e: {  	s7 =	smul.u32 @!p0 $0xF7A, s2;
	p2 =	seq.s32 @!p0 s5, $0x0  }
0x1f: {  	s9 =	smul.u32 $0xF7A, s1;
	s8 =	simm.s32 @!p0 $0x1BF5;
	p2 =	por !p2, p0  }
0x20: {  	[sflag:s8] =	ssyncset.s32 @!p0 $0xFFFFF086;
	s6 =	sadd.s32 @!p0 s3, s7;
	s7 =	simm.s32 @!p0 $0x108  }
0x21: {  	s3 =	sadd.s32 s3, s9;
	s6 =	sadd.s32 @!p0 $0x88, s6;
	s7 =	simm.s32 @p2 $0x1082  }
0x22: {  	[simem:s7], [sflag:s8] =	dma.local @!p0 [hbm:s6], $0xF7A  }
0x23: {  	s9 =	sor.u32 $0xD0000000, s2;
	s6 =	simm.s32 $0x108;
	_ =	swait.ge @!p0 [sflag:s8], $0x0  }
0x24: {  	s3 =	sadd.s32 $0x88, s3;
	s6 =	simm.s32 @!p1 $0x1082;
	[sflag:s4] =	ssyncset.s32 $0xFFFFF086  }
0x25: {  	[simem:s6], [sflag:s4] =	dma.local [hbm:s3], $0xF7A  }
0x26: {  	[smem:$0x3F8F] =	sst s1;
	(tag) =	ssettag s2;
	_ =	strace s9  }
0x27: {  	s1 =	sld [smem:$0x3F9F]  }
0x28: {  	s2 =	sld [smem:$0x3FA0]  }
0x29: {  	s4 =	sld [smem:$0x3FA2]  }
0x2a: {  	p0 =	seq.s32 s5, $0x0;
	s5 =	sld [smem:$0x3FA3]  }
0x2b: {  	s6 =	sld [smem:$0x3FA4]  }
0x2c: {  	s7 =	sld [smem:$0x3FA5]  }
0x2d: {  	s3 =	simm.s32 $0x108;
	s8 =	sld [smem:$0x3FA6]  }
0x2e: {  	s3 =	simm.s32 @!p0 $0x1082;
	s9 =	sld [smem:$0x3FA7]  }
0x2f: {  	lr =	sadd.s32 s0, s3;
	s0 =	sld [smem:$0x3F9E]  }
0x30: {  	s3 =	sld [smem:$0x3FA1]  }
0x31: {  	[smem:$0x3FAA] =	sst s10  }
0x32: {  	s10 =	sld [smem:$0x3FA8];
	_ =	sdelay $0x3  }
0x33: {  	p0 =	seq.s32 s10, $0x1;
	s10 =	sld [smem:$0x3FAA];
	_ =	sdelay $0x3  }
0x34: {  	[smem:$0x3FAA] =	sst s10  }
0x35: {  	s10 =	sld [smem:$0x3FA9];
	_ =	sdelay $0x3  }
0x36: {  	p1 =	seq.s32 s10, $0x1;
	s10 =	sld [smem:$0x3FAA];
	_ =	sdelay $0x3  }
0x37: {  	[smem:$0x3FAA] =	sst s10  }
0x38: {  	s10 =	sld [smem:$0x3FAB]  }
0x39: {  	_ = 	snop;
	(pc) =	sbr.ind lr, $3  }
0x3a: {  	_ = 	snop  }
0x3b: {  	_ = 	snop  }
0x3c: {  	p2 =	seq.s32 s10, $0x1;
	s10 =	sld [smem:$0x3FAA]  }
0x3d: {  	_ =	shalt  }
0x3e: {  	_ =	shalt  }
0x3f: {  	_ =	shalt  }
0x40: {  	_ =	shalt  }
0x41: {  	_ =	shalt  }
0x42: {  	_ =	shalt  }
0x43: {  	_ =	shalt  }
0x44: {  	_ =	shalt  }
0x45: {  	_ =	shalt  }
0x46: {  	_ =	shalt  }
0x47: {  	_ =	shalt  }
0x48: {  	_ =	shalt  }
0x49: {  	_ =	shalt  }
0x4a: {  	_ =	shalt  }
0x4b: {  	_ =	shalt  }
0x4c: {  	_ =	shalt  }
0x4d: {  	_ =	shalt  }
0x4e: {  	_ =	shalt  }
0x4f: {  	_ =	shalt  }
0x50: {  	_ =	shalt  }
0x51: {  	_ =	shalt  }
0x52: {  	_ =	shalt  }
0x53: {  	_ =	shalt  }
0x54: {  	_ =	shalt  }
0x55: {  	_ =	shalt  }
0x56: {  	_ =	shalt  }
0x57: {  	_ =	shalt  }
0x58: {  	_ =	shalt  }
0x59: {  	_ =	shalt  }
0x5a: {  	_ =	shalt  }
0x5b: {  	_ =	shalt  }
0x5c: {  	_ =	shalt  }
0x5d: {  	_ =	shalt  }
0x5e: {  	_ =	shalt  }
0x5f: {  	_ =	shalt  }
0x60: {  	_ =	shalt  }
0x61: {  	_ =	shalt  }
0x62: {  	_ =	shalt  }
0x63: {  	_ =	shalt  }
0x64: {  	_ =	shalt  }
0x65: {  	_ =	shalt  }
0x66: {  	_ =	shalt  }
0x67: {  	_ =	shalt  }
0x68: {  	_ =	shalt  }
0x69: {  	_ =	shalt  }
0x6a: {  	_ =	shalt  }
0x6b: {  	_ =	shalt  }
0x6c: {  	_ =	shalt  }
0x6d: {  	_ =	shalt  }
0x6e: {  	_ =	shalt  }
0x6f: {  	_ =	shalt  }
0x70: {  	_ =	shalt  }
0x71: {  	_ =	shalt  }
0x72: {  	_ =	shalt  }
0x73: {  	_ =	shalt  }
0x74: {  	_ =	shalt  }
0x75: {  	_ =	shalt  }
0x76: {  	_ =	shalt  }
0x77: {  	_ =	shalt  }
0x78: {  	_ =	shalt  }
0x79: {  	_ =	shalt  }
0x7a: {  	_ =	shalt  }
0x7b: {  	_ =	shalt  }
0x7c: {  	_ =	shalt  }
0x7d: {  	_ =	shalt  }
0x7e: {  	_ =	shalt  }
0x7f: {  	_ =	shalt  }
0x80: {  	_ =	shalt  }
0x81: {  	_ =	shalt  }
0x82: {  	_ =	shalt  }
0x83: {  	_ =	shalt  }
0x84: {  	_ =	shalt  }
0x85: {  	_ =	shalt  }
0x86: {  	_ =	shalt  }
0x87: {  	_ =	shalt  }
.Lfunc_end0:
.L_simem_size_0:
called_computation_lowered:
.L_overlay_start_0:
0x88: {  	s2 =	sld [smem:$0x3FD9]  }
0x89: {  	s3 =	sld [smem:$0x3FFE];
	_ =	sdelay $0x1  }
0x8a: {  	s1 =	srdreg.scid  }
0x8b: {  	s0 =	sand.u32 $0x1, s1  }
0x8c: {  	s17 =	sshll.u32 s0, $0xA;
	s2 =	sadd.s32 s3, s2  }
0x8d: {  	s2 =	sadd.s32 s2, s17  }
0x8e: {  	[smem:$0x3FB6] =	sst s2  }
0x8f: {  	_ = 	snop  }
0x90: {  	s2 =	sld [smem:$0x3FC9]  }
0x91: {  	s18 =	sld [smem:$0x3FC8];
	(tm) =	ssettm $0x1  }
0x92: {  	s4 =	sld [smem:$0x3FFB];
	_ =	sdelay $0x3  }
0x93: {  	_ =	strace s4  }
0x94: {  	s4 =	sld [smem:$0x3FFC];
	_ =	sdelay $0x3  }
0x95: {  	_ =	strace s4  }
0x96: {  	s4 =	sld [smem:$0x3FFD];
	_ =	sdelay $0x3  }
0x97: {  	_ =	strace s4  }
0x98: {  	_ =	strace $0x8FFFFFFF  }
0x99: {  	s19 =	sld [smem:$0x3FDB];
	_ =	sdelay $0x1  }
0x9a: {  	s5 =	simm.s32 $_scs_section_size  }
0x9b: {  	s6 =	simm.s32 $_size__tile_overlayer_lowered;
	s7 =	simm.s32 $_tile_overlayer_lowered  }
0x9c: {  	s22 =	simm.s32 $0x1BFF;
	s21 =	sshll.u32 s7, $0x1;
	s4 =	sadd.s32 s5, s19  }
0x9d: {  	s8 =	simm.s32 $0x0;
	s20 =	sshll.u32 s6, $0x1;
	s6 =	sadd.s32 s21, s4  }
0x9e: {  	[timem:s8], [sflag:s22] =	dma.local [hbm:s6], s20  }
0x9f: {  	_ =	swait.ge [sflag:s22], s20  }
0xa0: {  	s5 =	ssub.s32 $0x0, s20;
	[sflag:s22] =	ssyncset.done $0x0  }
0xa1: {  	[sflag:s22] =	ssyncadd.s32 s5;
	_ =	sdelay $0x1  }
0xa2: {  	s23 =	simm.s32 $0x1B8B  }
0xa3: {  	_ =	swait.ge [sflag:s23], $0x1  }
0xa4: {  	[sflag:s23] =	ssyncset.done $0x0  }
0xa5: {  	s25 =	simm.s32 $0x1B8E;
	s24 =	sld [smem:$0x3FFE];
	[sflag:s23] =	ssyncadd.s32 $0xFFFFFFFF  }
0xa6: {  	s26 =	simm.s32 $execute0_lowered;
	[smem:$0x3FD2] =	sst s25  }
0xa7: {  	s6 =	sshll.u32 s26, $0x1;
	_ =	strace $0x80000046;
	[dreg:$0x1] =	wrdreg $0xFFFFFFFF  }
0xa8: {  	s28 =	simm.s32 $_size_execute0_lowered;
	s4 =	sadd.s32 s4, s6;
	[dreg:$0x0] =	wrdreg $0x0  }
0xa9: {  	s6 =	sshll.u32 s28, $0x1;
	[dreg:$0x2] =	wrdreg s4  }
0xaa: {  	[dreg:$0x3] =	wrdreg s6  }
0xab: {  	[dreg:$0x4] =	wrdreg $0xC0  }
0xac: {  	_ =	task [dreg:s8], $0x5FFFF  }
0xad: {  	[dreg:$0x1] =	wrdreg $0xFFFFFFFF  }
0xae: {  	[dreg:$0x0] =	wrdreg $0x60  }
0xaf: {  	[dreg:$0x2] =	wrdreg s2  }
0xb0: {  	[dreg:$0x3] =	wrdreg s18  }
0xb1: {  	[dreg:$0x4] =	wrdreg s24  }
0xb2: {  	[dreg:$0x5] =	wrdreg $0x9  }
0xb3: {  	_ =	task.clear_ibuf [dreg:s8], $0x6FFFF;
	_ =	strace $0x90000046  }
0xb4: {  	s29 =	simm.s32 $0x9;
	_ =	strace $0x80000048  }
0xb5: {  	_ =	swait.ge [sflag:s29], $0x1  }
0xb6: {  	[sflag:s29] =	ssyncadd.s32 $0xFFFFFFFF  }
0xb7: {  	_ =	strace $0x90000048  }
0xb8: {  	_ =	sfence  }
0xb9: {  	s30 =	sld [smem:$0x0];
	_ =	sdelay $0x2  }
0xba: {  	s31 =	sshll.u32 s1, $0xD;
	s1 =	sshrl.u32 s1, $0x2  }
0xbb: {  	s3 =	sand.u32 $0x4000, s31;
	s1 =	sadd.s32 s1, s30  }
0xbc: {  	s0 =	sor.u32 s3, s0;
	s1 =	sshll.u32 s1, $0x11  }
0xbd: {  	s0 =	sor.u32 s1, s0  }
0xbe: {  	s0 =	sadd.s32 $0x8F2B, s0  }
0xbf: {  	[sflag:s0] =	ssyncadd.remote.s32 $0x1  }
0xc0: {  	_ =	sfence.sel $0xFFFF  }
0xc1: {  	[dreg:$0x0] =	wrdreg $0xFFFFFFFF;
	(pc) =	sbr.abs _section_cstart, $3  }
0xc2: {  	[dreg:$0x1] =	wrdreg $0xFFFFFFFF  }
0xc3: {  	_ =	task.clear_ibuf [dreg:s8], $0x2FFFF;
	_ =	strace $0x9FFFFFFF  }
0xc4: {  	(tm) =	ssettm $0x7FFFFFFF  }
0xc5: {  	_ =	shalt  }
tec
execute0_lowered:
.L_overlay_start_1:
0x0: {  	(tag) =	ssettag $0x1  }
0x1: {  	s0 =	rddreg [dreg:$0x0]  }
0x2: {  	s1 =	rddreg [dreg:$0x1]  }
0x3: {  	s3 =	rddreg [dreg:$0x2]  }
0x4: {  	s2 =	srdreg.scid;
	s17 =	stileid.u32  }
0x5: {  	s18 =	simm.s32 $0x1800;
	s19 =	simm.s32 $0x280;
	s14 =	simm.s32 $0x200  }
0x6: {  	s20 =	simm.s32 $0x5800;
	s15 =	simm.s32 $0x400;
	s21 =	simm.s32 $0x480  }
0x7: {  	s16 =	simm.s32 $0x600;
	s13 =	simm.s32 $0x80;
	s28 =	simm.s32 $0x380  }
0x8: {  	p0 =	por $0x0, $0x0;
	s29 =	simm.s32 $0x7800;
	s30 =	simm.s32 $0x580  }
0x9: {  	s31 =	simm.s32 $0xA000;
	s4 =	sand.u32 $0x1, s2;
	s2 =	simm.s32 $0x0  }
0xa: {  	s5 =	sshll.u32 s17, $0xA;
	s8 =	sadd.s32 $0x1315400, s3;
	[smem:$0x7FF] =	sst s2  }
0xb: {  	s9 =	sadd.s32 $0xF44A00, s3;
	_ =	strace $0x80000047;
	[dreg:$0xc] =	wrdreg s18  }
0xc: {  	s10 =	sadd.s32 $0x21000, s3;
	s6 =	sshll.u32 s4, $0x9;
	[dreg:$0xd] =	wrdreg s19  }
0xd: {  	s11 =	sadd.s32 $0x2600, s3;
	s5 =	sor.u32 s6, s5;
	[dreg:$0xe] =	wrdreg s20  }
0xe: {  	s4 =	ssub.s32 $0x2, s4;
	[dreg:$0xf] =	wrdreg s21;
	s6 =	sshrl.u32 s5, $0x3  }
0xf: {  	s19 =	simm.s32 $0x300;
	s20 =	simm.s32 $0x6800;
	s0 =	sadd.s32 s0, s6  }
0x10: {  	s7 =	sadd.s32 s6, s3;
	s22 =	sadd.s32 s1, s6;
	[dreg:$0x4] =	wrdreg s0  }
0x11: {  	s12 =	sshll.u32 s5, $0x2;
	[dreg:$0x5] =	wrdreg s22;
	s24 =	sadd.s32 $0x40200, s7  }
0x12: {  	s23 =	sadd.s32 s12, s3;
	s25 =	sadd.s32 $0x3FA00, s7;
	[dreg:$0x6] =	wrdreg s24  }
0x13: {  	s5 =	sshll.u32 s5, $0x1;
	s26 =	sadd.s32 $0x61200, s23;
	[dreg:$0x7] =	wrdreg s25  }
0x14: {  	s3 =	sadd.s32 s5, s3;
	s1 =	sadd.s32 $0x51200, s23;
	[dreg:$0x8] =	wrdreg s26  }
0x15: {  	s21 =	simm.s32 $0x500;
	s6 =	sadd.s32 $0x49200, s3;
	[dreg:$0x9] =	wrdreg s1  }
0x16: {  	s5 =	sshrl.u32 s4, $0x1;
	s7 =	sadd.s32 $0x41200, s3;
	[dreg:$0xa] =	wrdreg s6  }
0x17: {  	s3 =	simm.s32 $0x2;
	s22 =	simm.s32 $0x9000;
	[dreg:$0xb] =	wrdreg s7  }
0x18: {  	s23 =	simm.s32 $0x680;
	s1 =	ssub.s32 s4, s5;
	[dreg:$0x10] =	wrdreg s22  }
0x19: {  	s7 =	simm.s32 $0x800;
	[dreg:$0x11] =	wrdreg s23;
	s12 =	smax.u32 s1, $0x1  }
0x1a: {  	s24 =	simm.s32 $0xB000;
	s6 =	simm.s32 $0x4800;
	p1 =	sne.s32 s12, $0x1  }
.Ltmp0:
0x1b: {  	s25 =	simm.s32 $0x100;
	[dreg:$0x12] =	wrdreg s24;
	(pc) =	sbr.rel @!p1 .LBB2_1-.Ltmp0, $4  }
0x1c: {  	s5 =	simm.s32 $0x8800;
	s26 =	simm.s32 $0x2800;
	[dreg:$0x13] =	wrdreg s25  }
0x1d: {  	s4 =	simm.s32 $0xA800;
	s22 =	simm.s32 $0x780;
	[dreg:$0x14] =	wrdreg s26  }
0x1e: {  	s24 =	simm.s32 $0xB800;
	s25 =	simm.s32 $0x180;
	s26 =	simm.s32 $0x3800  }
0x1f: {  	s1 =	rddreg [dreg:$0x4];
	s0 =	sadd.s32 $0xFFFFFFFF, s12;
	s12 =	simm.s32 $0x1  }
0x20: {  	[tilespmem:s2], [sflag:$0x2] =	stream.linear.gather [hbm4b:s1+s2], $0x200, $0x38;
	[tilespmem:$0xC800] =	vst v63  }
0x21: {  	_ =	swait.ge [sflag:s3], $0x200  }
0x22: {  	[sflag:s3] =	ssyncset.done $0x0  }
0x23: {  	s17 =	rddreg [dreg:$0x5];
	[sflag:s3] =	ssyncadd.s32 $0xFFFFFE00  }
0x24: {  	[tilespmem:s14], [sflag:$0x2] =	stream.linear.gather [hbm4b:s17+s2], $0x200, $0x38;
	[tilespmem:$0xC800] =	vst v63  }
0x25: {  	_ =	swait.ge [sflag:s3], $0x200  }
0x26: {  	[sflag:s3] =	ssyncset.done $0x0  }
0x27: {  	s18 =	rddreg [dreg:$0x6];
	[sflag:s3] =	ssyncadd.s32 $0xFFFFFE00  }
0x28: {  	[tilespmem:s15], [sflag:$0x2] =	stream.linear.gather [hbm4b:s18+s2], $0x200, $0x38;
	[tilespmem:$0xC800] =	vst v63  }
0x29: {  	_ =	swait.ge [sflag:s3], $0x200  }
0x2a: {  	[sflag:s3] =	ssyncset.done $0x0  }
0x2b: {  	s23 =	rddreg [dreg:$0x7];
	[sflag:s3] =	ssyncadd.s32 $0xFFFFFE00  }
0x2c: {  	[tilespmem:s16], [sflag:$0x2] =	stream.linear.gather [hbm4b:s23+s2], $0x200, $0x38;
	[tilespmem:$0xC800] =	vst v63  }
0x2d: {  	_ =	swait.ge [sflag:s3], $0x200  }
0x2e: {  	[sflag:s3] =	ssyncset.done $0x0;
	s23 =	rddreg [dreg:$0x10]  }
0x2f: {  	s17 =	rddreg [dreg:$0xe];
	[sflag:s3] =	ssyncadd.s32 $0xFFFFFE00  }
0x30: {  	[tilespmem:s7], [sflag:$0x1] =	stream.indirect.gather [hbm4b:s8+s13], $0x20, s2, s13, $0xb8;
	[tilespmem:$0xC800] =	vst v63  }
0x31: {  	s18 =	rddreg [dreg:$0xc]  }
0x32: {  	[tilespmem:s6], [sflag:$0x1] =	stream.indirect.gather [hbm4b:s9+s13], $0x20, s14, s13, $0xb8;
	[tilespmem:$0xC800] =	vst v63  }
0x33: {  	s1 =	rddreg [dreg:$0xd]  }
0x34: {  	[tilespmem:s5], [sflag:$0x1] =	stream.indirect.gather [hbm4b:s10+s13], $0x10, s15, s13, $0xb8;
	[tilespmem:$0xC800] =	vst v63  }
0x35: {  	[dreg:$0x15] =	wrdreg s17  }
0x36: {  	[tilespmem:s4], [sflag:$0x1] =	stream.indirect.gather [hbm4b:s11+s13], $0x10, s16, s13, $0xb8;
	[tilespmem:$0xC800] =	vst v63  }
0x37: {  	s17 =	smov.u32 s0;
	s0 =	rddreg [dreg:$0xf]  }
0x38: {  	[tilespmem:s18], [sflag:$0x1] =	stream.indirect.gather [hbm4b:s8+s13], $0x20, s13, s13, $0xb8;
	[tilespmem:$0xC800] =	vst v63  }
0x39: {  	s18 =	rddreg [dreg:$0x15]  }
0x3a: {  	[tilespmem:s18], [sflag:$0x1] =	stream.indirect.gather [hbm4b:s9+s13], $0x20, s1, s13, $0xb8;
	[tilespmem:$0xC800] =	vst v63  }
0x3b: {  	s18 =	rddreg [dreg:$0x12]  }
0x3c: {  	s1 =	rddreg [dreg:$0x11]  }
0x3d: {  	[dreg:$0x16] =	wrdreg s1  }
0x3e: {  	s1 =	rddreg [dreg:$0x14]  }
0x3f: {  	[tilespmem:s23], [sflag:$0x1] =	stream.indirect.gather [hbm4b:s10+s13], $0x10, s0, s13, $0xb8;
	[tilespmem:$0xC800] =	vst v63  }
0x40: {  	s23 =	rddreg [dreg:$0x16]  }
0x41: {  	[tilespmem:s18], [sflag:$0x1] =	stream.indirect.gather [hbm4b:s11+s13], $0x10, s23, s13, $0xb8;
	[tilespmem:$0xC800] =	vst v63  }
0x42: {  	s0 =	rddreg [dreg:$0x13]  }
0x43: {  	[tilespmem:s1], [sflag:$0x1] =	stream.indirect.gather [hbm4b:s8+s13], $0x20, s0, s13, $0xb8;
	[tilespmem:$0xC800] =	vst v63  }
0x44: {  	_ = 	snop  }
0x45: {  	[tilespmem:s20], [sflag:$0x1] =	stream.indirect.gather [hbm4b:s9+s13], $0x20, s19, s13, $0xb8;
	[tilespmem:$0xC800] =	vst v63  }
0x46: {  	s23 =	simm.s32 $0x9800  }
0x47: {  	[tilespmem:s23], [sflag:$0x1] =	stream.indirect.gather [hbm4b:s10+s13], $0x10, s21, s13, $0xb8;
	[tilespmem:$0xC800] =	vst v63  }
0x48: {  	s1 =	simm.s32 $0x700  }
0x49: {  	[tilespmem:s24], [sflag:$0x1] =	stream.indirect.gather [hbm4b:s11+s13], $0x10, s1, s13, $0xb8;
	[tilespmem:$0xC800] =	vst v63  }
0x4a: {  	_ = 	snop  }
0x4b: {  	[tilespmem:s26], [sflag:$0x1] =	stream.indirect.gather [hbm4b:s8+s13], $0x20, s25, s13, $0xb8;
	[tilespmem:$0xC800] =	vst v63  }
0x4c: {  	_ = 	snop  }
0x4d: {  	[tilespmem:s29], [sflag:$0x1] =	stream.indirect.gather [hbm4b:s9+s13], $0x20, s28, s13, $0xb8;
	[tilespmem:$0xC800] =	vst v63  }
0x4e: {  	_ = 	snop  }
0x4f: {  	[tilespmem:s31], [sflag:$0x1] =	stream.indirect.gather [hbm4b:s10+s13], $0x10, s30, s13, $0xb8;
	[tilespmem:$0xC800] =	vst v63  }
0x50: {  	s18 =	simm.s32 $0xC000  }
0x51: {  	[tilespmem:s18], [sflag:$0x1] =	stream.indirect.gather [hbm4b:s11+s13], $0x10, s22, s13, $0xb8;
	[tilespmem:$0xC800] =	vst v63  }
0x52: {  	_ =	swait.ge [sflag:s12], $0x1000  }
0x53: {  	[sflag:s12] =	ssyncset.done $0x0  }
0x54: {  	[sflag:s12] =	ssyncadd.s32 $0xFFFFF000  }
0x55: {  	_ =	swait.ge [sflag:s12], $0x1000  }
0x56: {  	[sflag:s12] =	ssyncset.done $0x0  }
0x57: {  	[sflag:s12] =	ssyncadd.s32 $0xFFFFF000  }
0x58: {  	_ =	swait.ge [sflag:s12], $0x800  }
0x59: {  	[sflag:s12] =	ssyncset.done $0x0  }
0x5a: {  	[sflag:s12] =	ssyncadd.s32 $0xFFFFF800  }
0x5b: {  	_ =	swait.ge [sflag:s12], $0x800  }
0x5c: {  	[sflag:s12] =	ssyncset.done $0x0  }
0x5d: {  	[sflag:s12] =	ssyncadd.s32 $0xFFFFF800  }
0x5e: {  	_ =	swait.ge [sflag:s12], $0x1000  }
0x5f: {  	[sflag:s12] =	ssyncset.done $0x0  }
0x60: {  	[sflag:s12] =	ssyncadd.s32 $0xFFFFF000  }
0x61: {  	_ =	swait.ge [sflag:s12], $0x1000  }
0x62: {  	[sflag:s12] =	ssyncset.done $0x0  }
0x63: {  	[sflag:s12] =	ssyncadd.s32 $0xFFFFF000  }
0x64: {  	_ =	swait.ge [sflag:s12], $0x800  }
0x65: {  	[sflag:s12] =	ssyncset.done $0x0  }
0x66: {  	[sflag:s12] =	ssyncadd.s32 $0xFFFFF800  }
0x67: {  	_ =	swait.ge [sflag:s12], $0x800  }
0x68: {  	[sflag:s12] =	ssyncset.done $0x0  }
0x69: {  	[sflag:s12] =	ssyncadd.s32 $0xFFFFF800  }
0x6a: {  	_ =	swait.ge [sflag:s12], $0x1000  }
0x6b: {  	[sflag:s12] =	ssyncset.done $0x0  }
0x6c: {  	[sflag:s12] =	ssyncadd.s32 $0xFFFFF000  }
0x6d: {  	_ =	swait.ge [sflag:s12], $0x1000  }
0x6e: {  	[sflag:s12] =	ssyncset.done $0x0  }
0x6f: {  	[sflag:s12] =	ssyncadd.s32 $0xFFFFF000  }
0x70: {  	_ =	swait.ge [sflag:s12], $0x800  }
0x71: {  	[sflag:s12] =	ssyncset.done $0x0  }
0x72: {  	[sflag:s12] =	ssyncadd.s32 $0xFFFFF800  }
0x73: {  	_ =	swait.ge [sflag:s12], $0x800  }
0x74: {  	[sflag:s12] =	ssyncset.done $0x0  }
0x75: {  	[sflag:s12] =	ssyncadd.s32 $0xFFFFF800  }
0x76: {  	_ =	swait.ge [sflag:s12], $0x1000  }
0x77: {  	[sflag:s12] =	ssyncset.done $0x0  }
0x78: {  	[sflag:s12] =	ssyncadd.s32 $0xFFFFF000  }
0x79: {  	_ =	swait.ge [sflag:s12], $0x1000  }
0x7a: {  	[sflag:s12] =	ssyncset.done $0x0  }
0x7b: {  	[sflag:s12] =	ssyncadd.s32 $0xFFFFF000  }
0x7c: {  	_ =	swait.ge [sflag:s12], $0x800  }
0x7d: {  	[sflag:s12] =	ssyncset.done $0x0  }
0x7e: {  	[sflag:s12] =	ssyncadd.s32 $0xFFFFF800  }
0x7f: {  	_ =	swait.ge [sflag:s12], $0x800  }
0x80: {  	[sflag:s12] =	ssyncset.done $0x0  }
0x81: {  	s23 =	rddreg [dreg:$0x8];
	[sflag:s12] =	ssyncadd.s32 $0xFFFFF800  }
0x82: {  	[hbm4b:s23+s2] =	stream.linear.scatter [tilespmem:s7], [sflag:$0x2], $0x4000, $0x38;
	[tilespmem:$0xC800] =	vst v63  }
0x83: {  	_ =	swait.ge [sflag:s3], $0x4000  }
0x84: {  	[sflag:s3] =	ssyncset.done $0x0  }
0x85: {  	s1 =	rddreg [dreg:$0x9];
	[sflag:s3] =	ssyncadd.s32 $0xFFFFC000  }
0x86: {  	[hbm4b:s1+s2] =	stream.linear.scatter [tilespmem:s6], [sflag:$0x2], $0x4000, $0x38;
	[tilespmem:$0xC800] =	vst v63  }
0x87: {  	_ =	swait.ge [sflag:s3], $0x4000  }
0x88: {  	[sflag:s3] =	ssyncset.done $0x0  }
0x89: {  	s18 =	rddreg [dreg:$0xa];
	[sflag:s3] =	ssyncadd.s32 $0xFFFFC000  }
0x8a: {  	[hbm4b:s18+s2] =	stream.linear.scatter [tilespmem:s5], [sflag:$0x2], $0x2000, $0x38;
	[tilespmem:$0xC800] =	vst v63  }
0x8b: {  	p1 =	sne.s32 s17, $0x1;
	_ =	swait.ge [sflag:s3], $0x2000  }
.Ltmp1:
0x8c: {  	[sflag:s3] =	ssyncset.done $0x0;
	(pc) =	sbr.rel @!p1 .LBB2_3-.Ltmp1, $4  }
0x8d: {  	s23 =	rddreg [dreg:$0xb];
	[sflag:s3] =	ssyncadd.s32 $0xFFFFE000  }
0x8e: {  	[hbm4b:s23+s2] =	stream.linear.scatter [tilespmem:s4], [sflag:$0x2], $0x2000, $0x38;
	[tilespmem:$0xC800] =	vst v63  }
0x8f: {  	p0 =	por $0x1, $0x1;
	s0 =	sadd.s32 $0xFFFFFFFF, s17;
	_ =	swait.ge [sflag:s3], $0x2000  }
0x90: {  	s23 =	simm.s32 $0xC000;
	s1 =	rddreg [dreg:$0x4];
	[sflag:s3] =	ssyncset.done $0x0  }
.LBB2_4:
0x91: {  	[sflag:s3] =	ssyncadd.s32 $0xFFFFE000  }
0x92: {  	[tilespmem:s2], [sflag:$0x2] =	stream.linear.gather [hbm4b:s1+s2], $0x200, $0x38;
	[tilespmem:$0xC800] =	vst v63  }
0x93: {  	_ =	swait.ge [sflag:s3], $0x200  }
0x94: {  	[sflag:s3] =	ssyncset.done $0x0  }
0x95: {  	s19 =	rddreg [dreg:$0x5];
	[sflag:s3] =	ssyncadd.s32 $0xFFFFFE00  }
0x96: {  	[tilespmem:s14], [sflag:$0x2] =	stream.linear.gather [hbm4b:s19+s2], $0x200, $0x38;
	[tilespmem:$0xC800] =	vst v63  }
0x97: {  	_ =	swait.ge [sflag:s3], $0x200  }
0x98: {  	[sflag:s3] =	ssyncset.done $0x0  }
0x99: {  	s20 =	rddreg [dreg:$0x6];
	[sflag:s3] =	ssyncadd.s32 $0xFFFFFE00  }
0x9a: {  	[tilespmem:s15], [sflag:$0x2] =	stream.linear.gather [hbm4b:s20+s2], $0x200, $0x38;
	[tilespmem:$0xC800] =	vst v63  }
0x9b: {  	_ =	swait.ge [sflag:s3], $0x200  }
0x9c: {  	[sflag:s3] =	ssyncset.done $0x0  }
0x9d: {  	s21 =	rddreg [dreg:$0x7];
	[sflag:s3] =	ssyncadd.s32 $0xFFFFFE00  }
0x9e: {  	[tilespmem:s16], [sflag:$0x2] =	stream.linear.gather [hbm4b:s21+s2], $0x200, $0x38;
	[tilespmem:$0xC800] =	vst v63  }
0x9f: {  	_ =	swait.ge [sflag:s3], $0x200  }
0xa0: {  	[sflag:s3] =	ssyncset.done $0x0  }
0xa1: {  	s1 =	rddreg [dreg:$0x14];
	[sflag:s3] =	ssyncadd.s32 $0xFFFFFE00  }
0xa2: {  	[tilespmem:s7], [sflag:$0x1] =	stream.indirect.gather [hbm4b:s8+s13], $0x20, s2, s13, $0xb8;
	[tilespmem:$0xC800] =	vst v63  }
0xa3: {  	s17 =	rddreg [dreg:$0x12]  }
0xa4: {  	[tilespmem:s6], [sflag:$0x1] =	stream.indirect.gather [hbm4b:s9+s13], $0x20, s14, s13, $0xb8;
	[tilespmem:$0xC800] =	vst v63  }
0xa5: {  	s18 =	rddreg [dreg:$0x10]  }
0xa6: {  	[tilespmem:s5], [sflag:$0x1] =	stream.indirect.gather [hbm4b:s10+s13], $0x10, s15, s13, $0xb8;
	[tilespmem:$0xC800] =	vst v63  }
0xa7: {  	s19 =	rddreg [dreg:$0xe]  }
0xa8: {  	[tilespmem:s4], [sflag:$0x1] =	stream.indirect.gather [hbm4b:s11+s13], $0x10, s16, s13, $0xb8;
	[tilespmem:$0xC800] =	vst v63  }
0xa9: {  	s20 =	rddreg [dreg:$0xc]  }
0xaa: {  	[tilespmem:s20], [sflag:$0x1] =	stream.indirect.gather [hbm4b:s8+s13], $0x20, s13, s13, $0xb8;
	[tilespmem:$0xC800] =	vst v63  }
0xab: {  	s21 =	rddreg [dreg:$0xd]  }
0xac: {  	[tilespmem:s19], [sflag:$0x1] =	stream.indirect.gather [hbm4b:s9+s13], $0x20, s21, s13, $0xb8;
	[tilespmem:$0xC800] =	vst v63  }
0xad: {  	s20 =	rddreg [dreg:$0xf]  }
0xae: {  	[tilespmem:s18], [sflag:$0x1] =	stream.indirect.gather [hbm4b:s10+s13], $0x10, s20, s13, $0xb8;
	[tilespmem:$0xC800] =	vst v63  }
0xaf: {  	s19 =	rddreg [dreg:$0x11]  }
0xb0: {  	[tilespmem:s17], [sflag:$0x1] =	stream.indirect.gather [hbm4b:s11+s13], $0x10, s19, s13, $0xb8;
	[tilespmem:$0xC800] =	vst v63  }
0xb1: {  	s18 =	rddreg [dreg:$0x13]  }
0xb2: {  	[tilespmem:s1], [sflag:$0x1] =	stream.indirect.gather [hbm4b:s8+s13], $0x20, s18, s13, $0xb8;
	[tilespmem:$0xC800] =	vst v63  }
0xb3: {  	s20 =	simm.s32 $0x6800;
	s19 =	simm.s32 $0x300  }
0xb4: {  	[tilespmem:s20], [sflag:$0x1] =	stream.indirect.gather [hbm4b:s9+s13], $0x20, s19, s13, $0xb8;
	[tilespmem:$0xC800] =	vst v63  }
0xb5: {  	s21 =	simm.s32 $0x500;
	s17 =	simm.s32 $0x9800  }
0xb6: {  	[tilespmem:s17], [sflag:$0x1] =	stream.indirect.gather [hbm4b:s10+s13], $0x10, s21, s13, $0xb8;
	[tilespmem:$0xC800] =	vst v63  }
0xb7: {  	s18 =	simm.s32 $0x700  }
0xb8: {  	[tilespmem:s24], [sflag:$0x1] =	stream.indirect.gather [hbm4b:s11+s13], $0x10, s18, s13, $0xb8;
	[tilespmem:$0xC800] =	vst v63  }
0xb9: {  	_ = 	snop  }
0xba: {  	[tilespmem:s26], [sflag:$0x1] =	stream.indirect.gather [hbm4b:s8+s13], $0x20, s25, s13, $0xb8;
	[tilespmem:$0xC800] =	vst v63  }
0xbb: {  	_ = 	snop  }
0xbc: {  	[tilespmem:s29], [sflag:$0x1] =	stream.indirect.gather [hbm4b:s9+s13], $0x20, s28, s13, $0xb8;
	[tilespmem:$0xC800] =	vst v63  }
0xbd: {  	_ = 	snop  }
0xbe: {  	[tilespmem:s31], [sflag:$0x1] =	stream.indirect.gather [hbm4b:s10+s13], $0x10, s30, s13, $0xb8;
	[tilespmem:$0xC800] =	vst v63  }
0xbf: {  	_ = 	snop  }
0xc0: {  	[tilespmem:s23], [sflag:$0x1] =	stream.indirect.gather [hbm4b:s11+s13], $0x10, s22, s13, $0xb8;
	[tilespmem:$0xC800] =	vst v63  }
0xc1: {  	_ =	swait.ge [sflag:s12], $0x1000  }
0xc2: {  	[sflag:s12] =	ssyncset.done $0x0  }
0xc3: {  	[sflag:s12] =	ssyncadd.s32 $0xFFFFF000  }
0xc4: {  	_ =	swait.ge [sflag:s12], $0x1000  }
0xc5: {  	[sflag:s12] =	ssyncset.done $0x0  }
0xc6: {  	[sflag:s12] =	ssyncadd.s32 $0xFFFFF000  }
0xc7: {  	_ =	swait.ge [sflag:s12], $0x800  }
0xc8: {  	[sflag:s12] =	ssyncset.done $0x0  }
0xc9: {  	[sflag:s12] =	ssyncadd.s32 $0xFFFFF800  }
0xca: {  	_ =	swait.ge [sflag:s12], $0x800  }
0xcb: {  	[sflag:s12] =	ssyncset.done $0x0  }
0xcc: {  	[sflag:s12] =	ssyncadd.s32 $0xFFFFF800  }
0xcd: {  	_ =	swait.ge [sflag:s12], $0x1000  }
0xce: {  	[sflag:s12] =	ssyncset.done $0x0  }
0xcf: {  	[sflag:s12] =	ssyncadd.s32 $0xFFFFF000  }
0xd0: {  	_ =	swait.ge [sflag:s12], $0x1000  }
0xd1: {  	[sflag:s12] =	ssyncset.done $0x0  }
0xd2: {  	[sflag:s12] =	ssyncadd.s32 $0xFFFFF000  }
0xd3: {  	_ =	swait.ge [sflag:s12], $0x800  }
0xd4: {  	[sflag:s12] =	ssyncset.done $0x0  }
0xd5: {  	[sflag:s12] =	ssyncadd.s32 $0xFFFFF800  }
0xd6: {  	_ =	swait.ge [sflag:s12], $0x800  }
0xd7: {  	[sflag:s12] =	ssyncset.done $0x0  }
0xd8: {  	[sflag:s12] =	ssyncadd.s32 $0xFFFFF800  }
0xd9: {  	_ =	swait.ge [sflag:s12], $0x1000  }
0xda: {  	[sflag:s12] =	ssyncset.done $0x0  }
0xdb: {  	[sflag:s12] =	ssyncadd.s32 $0xFFFFF000  }
0xdc: {  	_ =	swait.ge [sflag:s12], $0x1000  }
0xdd: {  	[sflag:s12] =	ssyncset.done $0x0  }
0xde: {  	[sflag:s12] =	ssyncadd.s32 $0xFFFFF000  }
0xdf: {  	_ =	swait.ge [sflag:s12], $0x800  }
0xe0: {  	[sflag:s12] =	ssyncset.done $0x0  }
0xe1: {  	[sflag:s12] =	ssyncadd.s32 $0xFFFFF800  }
0xe2: {  	_ =	swait.ge [sflag:s12], $0x800  }
0xe3: {  	[sflag:s12] =	ssyncset.done $0x0  }
0xe4: {  	[sflag:s12] =	ssyncadd.s32 $0xFFFFF800  }
0xe5: {  	_ =	swait.ge [sflag:s12], $0x1000  }
0xe6: {  	[sflag:s12] =	ssyncset.done $0x0  }
0xe7: {  	[sflag:s12] =	ssyncadd.s32 $0xFFFFF000  }
0xe8: {  	_ =	swait.ge [sflag:s12], $0x1000  }
0xe9: {  	[sflag:s12] =	ssyncset.done $0x0  }
0xea: {  	[sflag:s12] =	ssyncadd.s32 $0xFFFFF000  }
0xeb: {  	_ =	swait.ge [sflag:s12], $0x800  }
0xec: {  	[sflag:s12] =	ssyncset.done $0x0  }
0xed: {  	[sflag:s12] =	ssyncadd.s32 $0xFFFFF800  }
0xee: {  	_ =	swait.ge [sflag:s12], $0x800  }
0xef: {  	[sflag:s12] =	ssyncset.done $0x0  }
0xf0: {  	s17 =	rddreg [dreg:$0x8];
	[sflag:s12] =	ssyncadd.s32 $0xFFFFF800  }
0xf1: {  	[hbm4b:s17+s2] =	stream.linear.scatter [tilespmem:s7], [sflag:$0x2], $0x4000, $0x38;
	[tilespmem:$0xC800] =	vst v63  }
0xf2: {  	_ =	swait.ge [sflag:s3], $0x4000  }
0xf3: {  	[sflag:s3] =	ssyncset.done $0x0  }
0xf4: {  	s18 =	rddreg [dreg:$0x9];
	[sflag:s3] =	ssyncadd.s32 $0xFFFFC000  }
0xf5: {  	[hbm4b:s18+s2] =	stream.linear.scatter [tilespmem:s6], [sflag:$0x2], $0x4000, $0x38;
	[tilespmem:$0xC800] =	vst v63  }
0xf6: {  	_ =	swait.ge [sflag:s3], $0x4000  }
0xf7: {  	[sflag:s3] =	ssyncset.done $0x0  }
0xf8: {  	s17 =	rddreg [dreg:$0xa];
	[sflag:s3] =	ssyncadd.s32 $0xFFFFC000  }
0xf9: {  	[hbm4b:s17+s2] =	stream.linear.scatter [tilespmem:s5], [sflag:$0x2], $0x2000, $0x38;
	[tilespmem:$0xC800] =	vst v63  }
0xfa: {  	p1 =	sne.s32 s0, $0x1;
	_ =	swait.ge [sflag:s3], $0x2000  }
.Ltmp2:
0xfb: {  	[sflag:s3] =	ssyncset.done $0x0;
	(pc) =	sbr.rel @p1 .LBB2_4-.Ltmp2, $4  }
0xfc: {  	s18 =	rddreg [dreg:$0xb];
	[sflag:s3] =	ssyncadd.s32 $0xFFFFE000  }
0xfd: {  	[hbm4b:s18+s2] =	stream.linear.scatter [tilespmem:s4], [sflag:$0x2], $0x2000, $0x38;
	[tilespmem:$0xC800] =	vst v63  }
0xfe: {  	_ =	swait.ge [sflag:s3], $0x2000  }
0xff: {  	s0 =	sadd.s32 $0xFFFFFFFF, s0;
	s1 =	rddreg [dreg:$0x4];
	[sflag:s3] =	ssyncset.done $0x0  }
0x100: {  	s18 =	simm.s32 $0x780;
	s31 =	simm.s32 $0xA000  }
0x101: {  	s30 =	simm.s32 $0x580;
	s29 =	simm.s32 $0x7800;
	s28 =	simm.s32 $0x380  }
0x102: {  	s26 =	simm.s32 $0x3800;
	s25 =	simm.s32 $0x180;
	s24 =	simm.s32 $0xB800  }
0x103: {  	s23 =	simm.s32 $0x700;
	s22 =	simm.s32 $0x9800;
	s17 =	stileid.u32  }
.LBB2_6:
0x104: {  	[sflag:s3] =	ssyncadd.s32 @p0 $0xFFFFE000  }
0x105: {  	[tilespmem:s2], [sflag:$0x2] =	stream.linear.gather [hbm4b:s1+s2], $0x200, $0x38;
	[tilespmem:$0xC800] =	vst v63  }
0x106: {  	_ =	swait.ge [sflag:s3], $0x200  }
0x107: {  	[sflag:s3] =	ssyncset.done $0x0  }
0x108: {  	s0 =	rddreg [dreg:$0x5];
	[sflag:s3] =	ssyncadd.s32 $0xFFFFFE00  }
0x109: {  	[tilespmem:s14], [sflag:$0x2] =	stream.linear.gather [hbm4b:s0+s2], $0x200, $0x38;
	[tilespmem:$0xC800] =	vst v63  }
0x10a: {  	_ =	swait.ge [sflag:s3], $0x200  }
0x10b: {  	[sflag:s3] =	ssyncset.done $0x0  }
0x10c: {  	s1 =	rddreg [dreg:$0x6];
	[sflag:s3] =	ssyncadd.s32 $0xFFFFFE00  }
0x10d: {  	[tilespmem:s15], [sflag:$0x2] =	stream.linear.gather [hbm4b:s1+s2], $0x200, $0x38;
	[tilespmem:$0xC800] =	vst v63  }
0x10e: {  	_ =	swait.ge [sflag:s3], $0x200  }
0x10f: {  	[sflag:s3] =	ssyncset.done $0x0  }
0x110: {  	s1 =	rddreg [dreg:$0x7];
	[sflag:s3] =	ssyncadd.s32 $0xFFFFFE00  }
0x111: {  	[tilespmem:s16], [sflag:$0x2] =	stream.linear.gather [hbm4b:s1+s2], $0x200, $0x38;
	[tilespmem:$0xC800] =	vst v63  }
0x112: {  	_ =	swait.ge [sflag:s3], $0x200  }
0x113: {  	[sflag:s3] =	ssyncset.done $0x0  }
0x114: {  	[sflag:s3] =	ssyncadd.s32 $0xFFFFFE00  }
0x115: {  	[tilespmem:s7], [sflag:$0x1] =	stream.indirect.gather [hbm4b:s8+s13], $0x20, s2, s13, $0xb8;
	[tilespmem:$0xC800] =	vst v63  }
0x116: {  	s1 =	rddreg [dreg:$0xe]  }
0x117: {  	[tilespmem:s6], [sflag:$0x1] =	stream.indirect.gather [hbm4b:s9+s13], $0x20, s14, s13, $0xb8;
	[tilespmem:$0xC800] =	vst v63  }
0x118: {  	s14 =	rddreg [dreg:$0xd]  }
0x119: {  	[tilespmem:s5], [sflag:$0x1] =	stream.indirect.gather [hbm4b:s10+s13], $0x10, s15, s13, $0xb8;
	[tilespmem:$0xC800] =	vst v63  }
0x11a: {  	s15 =	rddreg [dreg:$0xc]  }
0x11b: {  	[tilespmem:s4], [sflag:$0x1] =	stream.indirect.gather [hbm4b:s11+s13], $0x10, s16, s13, $0xb8;
	[tilespmem:$0xC800] =	vst v63  }
0x11c: {  	s16 =	rddreg [dreg:$0xf]  }
0x11d: {  	[tilespmem:s15], [sflag:$0x1] =	stream.indirect.gather [hbm4b:s8+s13], $0x20, s13, s13, $0xb8;
	[tilespmem:$0xC800] =	vst v63  }
0x11e: {  	s15 =	rddreg [dreg:$0x10]  }
0x11f: {  	[tilespmem:s1], [sflag:$0x1] =	stream.indirect.gather [hbm4b:s9+s13], $0x20, s14, s13, $0xb8;
	[tilespmem:$0xC800] =	vst v63  }
0x120: {  	s1 =	rddreg [dreg:$0x12]  }
0x121: {  	s14 =	rddreg [dreg:$0x11]  }
0x122: {  	[tilespmem:s15], [sflag:$0x1] =	stream.indirect.gather [hbm4b:s10+s13], $0x10, s16, s13, $0xb8;
	[tilespmem:$0xC800] =	vst v63  }
0x123: {  	s15 =	rddreg [dreg:$0x14]  }
0x124: {  	[tilespmem:s1], [sflag:$0x1] =	stream.indirect.gather [hbm4b:s11+s13], $0x10, s14, s13, $0xb8;
	[tilespmem:$0xC800] =	vst v63  }
0x125: {  	s16 =	rddreg [dreg:$0x13]  }
0x126: {  	[tilespmem:s15], [sflag:$0x1] =	stream.indirect.gather [hbm4b:s8+s13], $0x20, s16, s13, $0xb8;
	[tilespmem:$0xC800] =	vst v63  }
0x127: {  	_ = 	snop  }
0x128: {  	[tilespmem:s20], [sflag:$0x1] =	stream.indirect.gather [hbm4b:s9+s13], $0x20, s19, s13, $0xb8;
	[tilespmem:$0xC800] =	vst v63  }
0x129: {  	_ = 	snop  }
0x12a: {  	[tilespmem:s22], [sflag:$0x1] =	stream.indirect.gather [hbm4b:s10+s13], $0x10, s21, s13, $0xb8;
	[tilespmem:$0xC800] =	vst v63  }
0x12b: {  	_ = 	snop  }
0x12c: {  	[tilespmem:s24], [sflag:$0x1] =	stream.indirect.gather [hbm4b:s11+s13], $0x10, s23, s13, $0xb8;
	[tilespmem:$0xC800] =	vst v63  }
0x12d: {  	_ = 	snop  }
0x12e: {  	[tilespmem:s26], [sflag:$0x1] =	stream.indirect.gather [hbm4b:s8+s13], $0x20, s25, s13, $0xb8;
	[tilespmem:$0xC800] =	vst v63  }
0x12f: {  	_ = 	snop  }
0x130: {  	[tilespmem:s29], [sflag:$0x1] =	stream.indirect.gather [hbm4b:s9+s13], $0x20, s28, s13, $0xb8;
	[tilespmem:$0xC800] =	vst v63  }
0x131: {  	_ = 	snop  }
0x132: {  	[tilespmem:s31], [sflag:$0x1] =	stream.indirect.gather [hbm4b:s10+s13], $0x10, s30, s13, $0xb8;
	[tilespmem:$0xC800] =	vst v63  }
0x133: {  	s26 =	simm.s32 $0xC000  }
0x134: {  	[tilespmem:s26], [sflag:$0x1] =	stream.indirect.gather [hbm4b:s11+s13], $0x10, s18, s13, $0xb8;
	[tilespmem:$0xC800] =	vst v63  }
0x135: {  	_ =	swait.ge [sflag:s12], $0x1000  }
0x136: {  	[sflag:s12] =	ssyncset.done $0x0  }
0x137: {  	[sflag:s12] =	ssyncadd.s32 $0xFFFFF000  }
0x138: {  	_ =	swait.ge [sflag:s12], $0x1000  }
0x139: {  	[sflag:s12] =	ssyncset.done $0x0  }
0x13a: {  	[sflag:s12] =	ssyncadd.s32 $0xFFFFF000  }
0x13b: {  	_ =	swait.ge [sflag:s12], $0x800  }
0x13c: {  	[sflag:s12] =	ssyncset.done $0x0  }
0x13d: {  	[sflag:s12] =	ssyncadd.s32 $0xFFFFF800  }
0x13e: {  	_ =	swait.ge [sflag:s12], $0x800  }
0x13f: {  	[sflag:s12] =	ssyncset.done $0x0  }
0x140: {  	[sflag:s12] =	ssyncadd.s32 $0xFFFFF800  }
0x141: {  	_ =	swait.ge [sflag:s12], $0x1000  }
0x142: {  	[sflag:s12] =	ssyncset.done $0x0  }
0x143: {  	[sflag:s12] =	ssyncadd.s32 $0xFFFFF000  }
0x144: {  	_ =	swait.ge [sflag:s12], $0x1000  }
0x145: {  	[sflag:s12] =	ssyncset.done $0x0  }
0x146: {  	[sflag:s12] =	ssyncadd.s32 $0xFFFFF000  }
0x147: {  	_ =	swait.ge [sflag:s12], $0x800  }
0x148: {  	[sflag:s12] =	ssyncset.done $0x0  }
0x149: {  	[sflag:s12] =	ssyncadd.s32 $0xFFFFF800  }
0x14a: {  	_ =	swait.ge [sflag:s12], $0x800  }
0x14b: {  	[sflag:s12] =	ssyncset.done $0x0  }
0x14c: {  	[sflag:s12] =	ssyncadd.s32 $0xFFFFF800  }
0x14d: {  	_ =	swait.ge [sflag:s12], $0x1000  }
0x14e: {  	[sflag:s12] =	ssyncset.done $0x0  }
0x14f: {  	[sflag:s12] =	ssyncadd.s32 $0xFFFFF000  }
0x150: {  	_ =	swait.ge [sflag:s12], $0x1000  }
0x151: {  	[sflag:s12] =	ssyncset.done $0x0  }
0x152: {  	[sflag:s12] =	ssyncadd.s32 $0xFFFFF000  }
0x153: {  	_ =	swait.ge [sflag:s12], $0x800  }
0x154: {  	[sflag:s12] =	ssyncset.done $0x0  }
0x155: {  	[sflag:s12] =	ssyncadd.s32 $0xFFFFF800  }
0x156: {  	_ =	swait.ge [sflag:s12], $0x800  }
0x157: {  	[sflag:s12] =	ssyncset.done $0x0  }
0x158: {  	[sflag:s12] =	ssyncadd.s32 $0xFFFFF800  }
0x159: {  	_ =	swait.ge [sflag:s12], $0x1000  }
0x15a: {  	[sflag:s12] =	ssyncset.done $0x0  }
0x15b: {  	[sflag:s12] =	ssyncadd.s32 $0xFFFFF000  }
0x15c: {  	_ =	swait.ge [sflag:s12], $0x1000  }
0x15d: {  	[sflag:s12] =	ssyncset.done $0x0  }
0x15e: {  	[sflag:s12] =	ssyncadd.s32 $0xFFFFF000  }
0x15f: {  	_ =	swait.ge [sflag:s12], $0x800  }
0x160: {  	[sflag:s12] =	ssyncset.done $0x0  }
0x161: {  	[sflag:s12] =	ssyncadd.s32 $0xFFFFF800  }
0x162: {  	_ =	swait.ge [sflag:s12], $0x800  }
0x163: {  	[sflag:s12] =	ssyncset.done $0x0  }
0x164: {  	s28 =	rddreg [dreg:$0x8];
	[sflag:s12] =	ssyncadd.s32 $0xFFFFF800  }
0x165: {  	[hbm4b:s28+s2] =	stream.linear.scatter [tilespmem:s7], [sflag:$0x2], $0x4000, $0x38;
	[tilespmem:$0xC800] =	vst v63  }
0x166: {  	_ =	swait.ge [sflag:s3], $0x4000  }
0x167: {  	[sflag:s3] =	ssyncset.done $0x0  }
0x168: {  	s29 =	rddreg [dreg:$0x9];
	[sflag:s3] =	ssyncadd.s32 $0xFFFFC000  }
0x169: {  	[hbm4b:s29+s2] =	stream.linear.scatter [tilespmem:s6], [sflag:$0x2], $0x4000, $0x38;
	[tilespmem:$0xC800] =	vst v63  }
0x16a: {  	_ =	swait.ge [sflag:s3], $0x4000  }
0x16b: {  	[sflag:s3] =	ssyncset.done $0x0  }
0x16c: {  	s30 =	rddreg [dreg:$0xa];
	[sflag:s3] =	ssyncadd.s32 $0xFFFFC000  }
0x16d: {  	[hbm4b:s30+s2] =	stream.linear.scatter [tilespmem:s5], [sflag:$0x2], $0x2000, $0x38;
	[tilespmem:$0xC800] =	vst v63  }
0x16e: {  	_ =	swait.ge [sflag:s3], $0x2000  }
0x16f: {  	[sflag:s3] =	ssyncset.done $0x0  }
0x170: {  	s31 =	rddreg [dreg:$0xb];
	[sflag:s3] =	ssyncadd.s32 $0xFFFFE000  }
0x171: {  	[hbm4b:s31+s2] =	stream.linear.scatter [tilespmem:s4], [sflag:$0x2], $0x2000, $0x38;
	[tilespmem:$0xC800] =	vst v63  }
0x172: {  	_ =	swait.ge [sflag:s3], $0x2000  }
0x173: {  	[sflag:s3] =	ssyncset.done $0x0  }
0x174: {  	[sflag:s3] =	ssyncadd.s32 $0xFFFFE000  }
0x175: {  	_ =	sfence.sel $0x180000  }
0x176: {  	[bflag:$0x0] =	sbarrier.arrive $0xFFFF  }
0x177: {  	_ =	strace $0x90000047  }
0x178: {  	[bflag:$0x2] =	sbarrier.arrive $0xFFFF  }
0x179: {  	p0 =	sne.s32 s17, $0x0;
	s0 =	rddreg [dreg:$0x3]  }
0x17a: {  	s0 =	sadd.s32 @!p0 $0x100000, s0  }
0x17b: {  	[sflag:s0] =	ssyncadd.tile.s32 @!p0 $0x1;
	_ =	shalt  }
.LBB2_1:
.Ltmp3:
0x17c: {  	(pc) =	sbr.rel .LBB2_6-.Ltmp3, $4  }
0x17d: {  	s18 =	simm.s32 $0x780  }
0x17e: {  	s31 =	simm.s32 $0xA000;
	s30 =	simm.s32 $0x580;
	s29 =	simm.s32 $0x7800  }
0x17f: {  	s28 =	simm.s32 $0x380;
	s26 =	simm.s32 $0x3800;
	s25 =	simm.s32 $0x180  }
0x180: {  	s24 =	simm.s32 $0xB800;
	s23 =	simm.s32 $0x700;
	s22 =	simm.s32 $0x9800  }
.LBB2_3:
.Ltmp4:
0x181: {  	(pc) =	sbr.rel .LBB2_6-.Ltmp4, $4  }
0x182: {  	s18 =	simm.s32 $0x780;
	s31 =	simm.s32 $0xA000  }
0x183: {  	s30 =	simm.s32 $0x580;
	s29 =	simm.s32 $0x7800;
	s28 =	simm.s32 $0x380  }
0x184: {  	s26 =	simm.s32 $0x3800;
	s25 =	simm.s32 $0x180;
	s24 =	simm.s32 $0xB800  }
0x185: {  	s23 =	simm.s32 $0x700;
	s22 =	simm.s32 $0x9800;
	s17 =	stileid.u32  }
.Lfunc_end2:
_tile_overlayer_lowered:
.L_overlay_start_2:
0x186: {  	(tag) =	ssettag $0x2  }
0x187: {  	s0 =	rddreg [dreg:$0x0];
	s2 =	stileid.u32  }
0x188: {  	s1 =	rddreg [dreg:$0x1];
	p0 =	sne.s32 s2, $0x0  }
0x189: {  	s3 =	rddreg [dreg:$0x2];
	[bflag:$0x3] =	sbarrier.arrive $0xFFFF;
	s2 =	simm.s32 @!p0 $0x1C02  }
0x18a: {  	[timem:s3], [sflag:s2] =	dma.local @!p0 [hbm:s0], s1  }
0x18b: {  	s0 =	simm.s32 @!p0 $0x2  }
0x18c: {  	_ =	swait.ge @!p0 [sflag:s0], s1  }
0x18d: {  	s1 =	ssub.s32 @!p0 $0x0, s1;
	[sflag:s0] =	ssyncset.done @!p0 $0x0  }
0x18e: {  	[sflag:s0] =	ssyncadd.s32 @!p0 s1  }
0x18f: {  	[bflag:$0x3] =	sbarrier.arrive $0xFFFF  }
0x190: {  	_ =	shalt  }

</sc_bundles>
